<compile_context>
chip_gen: v7x
topology: tpu7x:2x2x1
jax: 0.10.2.dev20260603
libtpu: 0.0.44.dev20260713+nightly
codegen_flags: <defaults>
</compile_context>

<pallas_src>
import functools

import jax
import jax.numpy as jnp
from jax import lax
from jax.experimental import pallas as pl
from jax.experimental.pallas import tpu as pltpu
from jax.experimental.pallas import tpu_sc as plsc

_B = 64
_S = 8192
_DIM = 64
_NC = 2
_NS = 16
_NW = _NC * _NS
_BPW = _B // _NW
_CROWS = 512
_CPB = _S // _CROWS
_NCHUNK = _BPW * _CPB
_NBUF = 2
_AHEAD = 1

_mesh = plsc.VectorSubcoreMesh(
    core_axis_name="c", subcore_axis_name="s",
    num_cores=_NC, num_subcores=_NS)


@functools.partial(
    pl.kernel,
    out_type=jax.ShapeDtypeStruct((_B, _S, _DIM), jnp.float32),
    mesh=_mesh,
    scratch_types=(
        [pltpu.VMEM((1, _CROWS, _DIM), jnp.float32) for _ in range(_NBUF)]
        + [pltpu.SemaphoreType.DMA for _ in range(2 * _NBUF)]
    ),
    compiler_params=pltpu.CompilerParams(skip_device_barrier=True),
)
def _sc_copy(src_hbm, dst_hbm, *scratch):
    bufs = scratch[:_NBUF]
    sin = scratch[_NBUF:2 * _NBUF]
    sout = scratch[2 * _NBUF:]
    wid = lax.axis_index("s") * _NC + lax.axis_index("c")
    base_b = wid * _BPW

    def slc(c):
        b, r = divmod(c, _CPB)
        return (pl.ds(base_b + b, 1), pl.ds(r * _CROWS, _CROWS))

    def in_copy(c):
        b, r = slc(c)
        return pltpu.make_async_copy(
            src_hbm.at[b, r], bufs[c % _NBUF], sin[c % _NBUF])

    def out_copy(c):
        b, r = slc(c)
        return pltpu.make_async_copy(
            bufs[c % _NBUF], dst_hbm.at[b, r], sout[c % _NBUF])

    for c in range(_AHEAD):
        in_copy(c).start()
    for c in range(_NCHUNK):
        in_copy(c).wait()
        out_copy(c).start()
        j = c + _AHEAD
        if j < _NCHUNK:
            r = j - _NBUF
            if r >= 0:
                out_copy(r).wait()
            in_copy(j).start()
    for c in range(_NCHUNK - _NBUF, _NCHUNK):
        out_copy(c).wait()


def kernel(tensor, pool):
    del pool
    return _sc_copy(tensor)

# --- scband reference (transcript-rebuilt; emitter-appended) ---
"""Pipeline reference for scband-memory-pool-81973745811660 (READ-ONLY COPY).

The authoritative reference and input builder live on the scoring server;
editing this copy changes nothing except your own understanding.
"""

import jax, jax.numpy as jnp
import numpy as np

MAX_BATCH = 64
CAPACITY = 8192
DIM = 64

def setup_inputs(seed: int = 0) -> dict:
    key = jax.random.key(seed)
    k1, k2 = jax.random.split(key)
    tensor = jax.random.normal(k1, (MAX_BATCH, CAPACITY, DIM), dtype=jnp.float32)
    # pool buffer (initialized to zeros, as in MemoryPool.__init__)
    pool = jnp.zeros((MAX_BATCH, CAPACITY, DIM), dtype=jnp.float32)
    return {"tensor": tensor, "pool": pool}

def reference(tensor, pool):
    # Faithful translation of MemoryPool.update: overwrite the first bsz rows
    # of the pool with the detached incoming tensor (scatter-overwrite).
    bsz, seqlen = tensor.shape[0], tensor.shape[1]
    assert bsz <= pool.shape[0]
    assert seqlen == pool.shape[1]
    t = jax.lax.stop_gradient(tensor)  # tensor.detach()
    new_pool = pool.at[:bsz, :, :].set(t)
    return new_pool

if __name__ == "__main__":
    import jax
    _d = setup_inputs()
    print(jax.jit(kernel)(*tuple(_d.values())))

</pallas_src>

<mosaic_0001>
#map = affine_map<(d0, d1) -> (0, 0, 0)>
module attributes {stable_mosaic.version = 14 : i64} {
  func.func @_sc_copy(%arg0: i32, %arg1: i32, %arg2: memref<64x8192x64xf32, #tpu.memory_space<hbm>>, %arg3: memref<64x8192x64xf32, #tpu.memory_space<hbm>>, %arg4: memref<1x512x64xf32, #tpu.memory_space<vmem>>, %arg5: memref<1x512x64xf32, #tpu.memory_space<vmem>>, %arg6: memref<!tpu.dma_semaphore, #tpu.memory_space<semaphore_mem>>, %arg7: memref<!tpu.dma_semaphore, #tpu.memory_space<semaphore_mem>>, %arg8: memref<!tpu.dma_semaphore, #tpu.memory_space<semaphore_mem>>, %arg9: memref<!tpu.dma_semaphore, #tpu.memory_space<semaphore_mem>>) attributes {dimension_semantics = [#tpu.dimension_semantics<core_parallel>, #tpu.dimension_semantics<subcore_parallel>], iteration_bounds = array<i64: 2, 16>, scalar_prefetch = 0 : i64, scratch_operands = 6 : i64, tpu.core_type = #tpu.core_type<sc_vector_subcore>, window_params = [{transform_indices = #map}, {transform_indices = #map}]} {
    %mul3A = arith.constant 2 : i32
    %mul3A_0 = arith.muli %arg1, %mul3A : i32
    %add3A = arith.addi %mul3A_0, %arg0 : i32
    %mul3A_1 = arith.constant 2 : i32
    %mul3A_2 = arith.muli %add3A, %mul3A_1 : i32
    %add3A_3 = arith.constant 0 : i32
    %add3A_4 = arith.addi %mul3A_2, %add3A_3 : i32
    %dma_start3A = arith.constant 0 : i32
    %dma_start3A_5 = arith.constant 0 : i32
    %dma_start3A_6 = tpu.memref_slice %arg2[%add3A_4, %dma_start3A, %dma_start3A_5] : memref<64x8192x64xf32, #tpu.memory_space<hbm>> -> memref<1x512x64xf32, #tpu.memory_space<hbm>>
    %dma_start3A_7 = arith.constant 0 : i32
    %dma_start3A_8 = arith.constant 0 : i32
    %dma_start3A_9 = tpu.memref_slice %arg2[%add3A_4, %dma_start3A_7, %dma_start3A_8] : memref<64x8192x64xf32, #tpu.memory_space<hbm>> -> memref<1x512x64xf32, #tpu.memory_space<hbm>>
    tpu.enqueue_dma source(%dma_start3A_9 : memref<1x512x64xf32, #tpu.memory_space<hbm>>) target(%arg4 : memref<1x512x64xf32, #tpu.memory_space<vmem>>) target_semaphore(%arg6 : memref<!tpu.dma_semaphore, #tpu.memory_space<semaphore_mem>>)
    %add3A_10 = arith.constant 0 : i32
    %add3A_11 = arith.addi %mul3A_2, %add3A_10 : i32
    %dma_wait3A = arith.constant 0 : i32
    %dma_wait3A_12 = arith.constant 0 : i32
    %dma_wait3A_13 = tpu.memref_slice %arg2[%add3A_11, %dma_wait3A, %dma_wait3A_12] : memref<64x8192x64xf32, #tpu.memory_space<hbm>> -> memref<1x512x64xf32, #tpu.memory_space<hbm>>
    %dma_wait3A_14 = arith.constant 0 : i32
    %dma_wait3A_15 = arith.constant 0 : i32
    %dma_wait3A_16 = tpu.memref_slice %arg2[%add3A_11, %dma_wait3A_14, %dma_wait3A_15] : memref<64x8192x64xf32, #tpu.memory_space<hbm>> -> memref<1x512x64xf32, #tpu.memory_space<hbm>>
    tpu.wait_dma2 semaphore(%arg6 : memref<!tpu.dma_semaphore, #tpu.memory_space<semaphore_mem>>) src(%dma_wait3A_16 : memref<1x512x64xf32, #tpu.memory_space<hbm>>) dst(%arg4 : memref<1x512x64xf32, #tpu.memory_space<vmem>>)
    %add3A_17 = arith.constant 0 : i32
    %add3A_18 = arith.addi %mul3A_2, %add3A_17 : i32
    %dma_start3A_19 = arith.constant 0 : i32
    %dma_start3A_20 = arith.constant 0 : i32
    %dma_start3A_21 = tpu.memref_slice %arg3[%add3A_18, %dma_start3A_19, %dma_start3A_20] : memref<64x8192x64xf32, #tpu.memory_space<hbm>> -> memref<1x512x64xf32, #tpu.memory_space<hbm>>
    %dma_start3A_22 = arith.constant 0 : i32
    %dma_start3A_23 = arith.constant 0 : i32
    %dma_start3A_24 = tpu.memref_slice %arg3[%add3A_18, %dma_start3A_22, %dma_start3A_23] : memref<64x8192x64xf32, #tpu.memory_space<hbm>> -> memref<1x512x64xf32, #tpu.memory_space<hbm>>
    tpu.enqueue_dma source(%arg4 : memref<1x512x64xf32, #tpu.memory_space<vmem>>) target(%dma_start3A_24 : memref<1x512x64xf32, #tpu.memory_space<hbm>>) target_semaphore(%arg8 : memref<!tpu.dma_semaphore, #tpu.memory_space<semaphore_mem>>)
    %add3A_25 = arith.constant 0 : i32
    %add3A_26 = arith.addi %mul3A_2, %add3A_25 : i32
    %dma_start3A_27 = arith.constant 512 : i32
    %dma_start3A_28 = arith.constant 0 : i32
    %dma_start3A_29 = tpu.memref_slice %arg2[%add3A_26, %dma_start3A_27, %dma_start3A_28] : memref<64x8192x64xf32, #tpu.memory_space<hbm>> -> memref<1x512x64xf32, #tpu.memory_space<hbm>>
    %dma_start3A_30 = arith.constant 512 : i32
    %dma_start3A_31 = arith.constant 0 : i32
    %dma_start3A_32 = tpu.memref_slice %arg2[%add3A_26, %dma_start3A_30, %dma_start3A_31] : memref<64x8192x64xf32, #tpu.memory_space<hbm>> -> memref<1x512x64xf32, #tpu.memory_space<hbm>>
    tpu.enqueue_dma source(%dma_start3A_32 : memref<1x512x64xf32, #tpu.memory_space<hbm>>) target(%arg5 : memref<1x512x64xf32, #tpu.memory_space<vmem>>) target_semaphore(%arg7 : memref<!tpu.dma_semaphore, #tpu.memory_space<semaphore_mem>>)
    %add3A_33 = arith.constant 0 : i32
    %add3A_34 = arith.addi %mul3A_2, %add3A_33 : i32
    %dma_wait3A_35 = arith.constant 512 : i32
    %dma_wait3A_36 = arith.constant 0 : i32
    %dma_wait3A_37 = tpu.memref_slice %arg2[%add3A_34, %dma_wait3A_35, %dma_wait3A_36] : memref<64x8192x64xf32, #tpu.memory_space<hbm>> -> memref<1x512x64xf32, #tpu.memory_space<hbm>>
    %dma_wait3A_38 = arith.constant 512 : i32
    %dma_wait3A_39 = arith.constant 0 : i32
    %dma_wait3A_40 = tpu.memref_slice %arg2[%add3A_34, %dma_wait3A_38, %dma_wait3A_39] : memref<64x8192x64xf32, #tpu.memory_space<hbm>> -> memref<1x512x64xf32, #tpu.memory_space<hbm>>
    tpu.wait_dma2 semaphore(%arg7 : memref<!tpu.dma_semaphore, #tpu.memory_space<semaphore_mem>>) src(%dma_wait3A_40 : memref<1x512x64xf32, #tpu.memory_space<hbm>>) dst(%arg5 : memref<1x512x64xf32, #tpu.memory_space<vmem>>)
    %add3A_41 = arith.constant 0 : i32
    %add3A_42 = arith.addi %mul3A_2, %add3A_41 : i32
    %dma_start3A_43 = arith.constant 512 : i32
    %dma_start3A_44 = arith.constant 0 : i32
    %dma_start3A_45 = tpu.memref_slice %arg3[%add3A_42, %dma_start3A_43, %dma_start3A_44] : memref<64x8192x64xf32, #tpu.memory_space<hbm>> -> memref<1x512x64xf32, #tpu.memory_space<hbm>>
    %dma_start3A_46 = arith.constant 512 : i32
    %dma_start3A_47 = arith.constant 0 : i32
    %dma_start3A_48 = tpu.memref_slice %arg3[%add3A_42, %dma_start3A_46, %dma_start3A_47] : memref<64x8192x64xf32, #tpu.memory_space<hbm>> -> memref<1x512x64xf32, #tpu.memory_space<hbm>>
    tpu.enqueue_dma source(%arg5 : memref<1x512x64xf32, #tpu.memory_space<vmem>>) target(%dma_start3A_48 : memref<1x512x64xf32, #tpu.memory_space<hbm>>) target_semaphore(%arg9 : memref<!tpu.dma_semaphore, #tpu.memory_space<semaphore_mem>>)
    %add3A_49 = arith.constant 0 : i32
    %add3A_50 = arith.addi %mul3A_2, %add3A_49 : i32
    %dma_wait3A_51 = arith.constant 0 : i32
    %dma_wait3A_52 = arith.constant 0 : i32
    %dma_wait3A_53 = tpu.memref_slice %arg3[%add3A_50, %dma_wait3A_51, %dma_wait3A_52] : memref<64x8192x64xf32, #tpu.memory_space<hbm>> -> memref<1x512x64xf32, #tpu.memory_space<hbm>>
    %dma_wait3A_54 = arith.constant 0 : i32
    %dma_wait3A_55 = arith.constant 0 : i32
    %dma_wait3A_56 = tpu.memref_slice %arg3[%add3A_50, %dma_wait3A_54, %dma_wait3A_55] : memref<64x8192x64xf32, #tpu.memory_space<hbm>> -> memref<1x512x64xf32, #tpu.memory_space<hbm>>
    tpu.wait_dma2 semaphore(%arg8 : memref<!tpu.dma_semaphore, #tpu.memory_space<semaphore_mem>>) src(%arg4 : memref<1x512x64xf32, #tpu.memory_space<vmem>>) dst(%dma_wait3A_56 : memref<1x512x64xf32, #tpu.memory_space<hbm>>)
    %add3A_57 = arith.constant 0 : i32
    %add3A_58 = arith.addi %mul3A_2, %add3A_57 : i32
    %dma_start3A_59 = arith.constant 1024 : i32
    %dma_start3A_60 = arith.constant 0 : i32
    %dma_start3A_61 = tpu.memref_slice %arg2[%add3A_58, %dma_start3A_59, %dma_start3A_60] : memref<64x8192x64xf32, #tpu.memory_space<hbm>> -> memref<1x512x64xf32, #tpu.memory_space<hbm>>
    %dma_start3A_62 = arith.constant 1024 : i32
    %dma_start3A_63 = arith.constant 0 : i32
    %dma_start3A_64 = tpu.memref_slice %arg2[%add3A_58, %dma_start3A_62, %dma_start3A_63] : memref<64x8192x64xf32, #tpu.memory_space<hbm>> -> memref<1x512x64xf32, #tpu.memory_space<hbm>>
    tpu.enqueue_dma source(%dma_start3A_64 : memref<1x512x64xf32, #tpu.memory_space<hbm>>) target(%arg4 : memref<1x512x64xf32, #tpu.memory_space<vmem>>) target_semaphore(%arg6 : memref<!tpu.dma_semaphore, #tpu.memory_space<semaphore_mem>>)
    %add3A_65 = arith.constant 0 : i32
    %add3A_66 = arith.addi %mul3A_2, %add3A_65 : i32
    %dma_wait3A_67 = arith.constant 1024 : i32
    %dma_wait3A_68 = arith.constant 0 : i32
    %dma_wait3A_69 = tpu.memref_slice %arg2[%add3A_66, %dma_wait3A_67, %dma_wait3A_68] : memref<64x8192x64xf32, #tpu.memory_space<hbm>> -> memref<1x512x64xf32, #tpu.memory_space<hbm>>
    %dma_wait3A_70 = arith.constant 1024 : i32
    %dma_wait3A_71 = arith.constant 0 : i32
    %dma_wait3A_72 = tpu.memref_slice %arg2[%add3A_66, %dma_wait3A_70, %dma_wait3A_71] : memref<64x8192x64xf32, #tpu.memory_space<hbm>> -> memref<1x512x64xf32, #tpu.memory_space<hbm>>
    tpu.wait_dma2 semaphore(%arg6 : memref<!tpu.dma_semaphore, #tpu.memory_space<semaphore_mem>>) src(%dma_wait3A_72 : memref<1x512x64xf32, #tpu.memory_space<hbm>>) dst(%arg4 : memref<1x512x64xf32, #tpu.memory_space<vmem>>)
    %add3A_73 = arith.constant 0 : i32
    %add3A_74 = arith.addi %mul3A_2, %add3A_73 : i32
    %dma_start3A_75 = arith.constant 1024 : i32
    %dma_start3A_76 = arith.constant 0 : i32
    %dma_start3A_77 = tpu.memref_slice %arg3[%add3A_74, %dma_start3A_75, %dma_start3A_76] : memref<64x8192x64xf32, #tpu.memory_space<hbm>> -> memref<1x512x64xf32, #tpu.memory_space<hbm>>
    %dma_start3A_78 = arith.constant 1024 : i32
    %dma_start3A_79 = arith.constant 0 : i32
    %dma_start3A_80 = tpu.memref_slice %arg3[%add3A_74, %dma_start3A_78, %dma_start3A_79] : memref<64x8192x64xf32, #tpu.memory_space<hbm>> -> memref<1x512x64xf32, #tpu.memory_space<hbm>>
    tpu.enqueue_dma source(%arg4 : memref<1x512x64xf32, #tpu.memory_space<vmem>>) target(%dma_start3A_80 : memref<1x512x64xf32, #tpu.memory_space<hbm>>) target_semaphore(%arg8 : memref<!tpu.dma_semaphore, #tpu.memory_space<semaphore_mem>>)
    %add3A_81 = arith.constant 0 : i32
    %add3A_82 = arith.addi %mul3A_2, %add3A_81 : i32
    %dma_wait3A_83 = arith.constant 512 : i32
    %dma_wait3A_84 = arith.constant 0 : i32
    %dma_wait3A_85 = tpu.memref_slice %arg3[%add3A_82, %dma_wait3A_83, %dma_wait3A_84] : memref<64x8192x64xf32, #tpu.memory_space<hbm>> -> memref<1x512x64xf32, #tpu.memory_space<hbm>>
    %dma_wait3A_86 = arith.constant 512 : i32
    %dma_wait3A_87 = arith.constant 0 : i32
    %dma_wait3A_88 = tpu.memref_slice %arg3[%add3A_82, %dma_wait3A_86, %dma_wait3A_87] : memref<64x8192x64xf32, #tpu.memory_space<hbm>> -> memref<1x512x64xf32, #tpu.memory_space<hbm>>
    tpu.wait_dma2 semaphore(%arg9 : memref<!tpu.dma_semaphore, #tpu.memory_space<semaphore_mem>>) src(%arg5 : memref<1x512x64xf32, #tpu.memory_space<vmem>>) dst(%dma_wait3A_88 : memref<1x512x64xf32, #tpu.memory_space<hbm>>)
    %add3A_89 = arith.constant 0 : i32
    %add3A_90 = arith.addi %mul3A_2, %add3A_89 : i32
    %dma_start3A_91 = arith.constant 1536 : i32
    %dma_start3A_92 = arith.constant 0 : i32
    %dma_start3A_93 = tpu.memref_slice %arg2[%add3A_90, %dma_start3A_91, %dma_start3A_92] : memref<64x8192x64xf32, #tpu.memory_space<hbm>> -> memref<1x512x64xf32, #tpu.memory_space<hbm>>
    %dma_start3A_94 = arith.constant 1536 : i32
    %dma_start3A_95 = arith.constant 0 : i32
    %dma_start3A_96 = tpu.memref_slice %arg2[%add3A_90, %dma_start3A_94, %dma_start3A_95] : memref<64x8192x64xf32, #tpu.memory_space<hbm>> -> memref<1x512x64xf32, #tpu.memory_space<hbm>>
    tpu.enqueue_dma source(%dma_start3A_96 : memref<1x512x64xf32, #tpu.memory_space<hbm>>) target(%arg5 : memref<1x512x64xf32, #tpu.memory_space<vmem>>) target_semaphore(%arg7 : memref<!tpu.dma_semaphore, #tpu.memory_space<semaphore_mem>>)
    %add3A_97 = arith.constant 0 : i32
    %add3A_98 = arith.addi %mul3A_2, %add3A_97 : i32
    %dma_wait3A_99 = arith.constant 1536 : i32
    %dma_wait3A_100 = arith.constant 0 : i32
    %dma_wait3A_101 = tpu.memref_slice %arg2[%add3A_98, %dma_wait3A_99, %dma_wait3A_100] : memref<64x8192x64xf32, #tpu.memory_space<hbm>> -> memref<1x512x64xf32, #tpu.memory_space<hbm>>
    %dma_wait3A_102 = arith.constant 1536 : i32
    %dma_wait3A_103 = arith.constant 0 : i32
    %dma_wait3A_104 = tpu.memref_slice %arg2[%add3A_98, %dma_wait3A_102, %dma_wait3A_103] : memref<64x8192x64xf32, #tpu.memory_space<hbm>> -> memref<1x512x64xf32, #tpu.memory_space<hbm>>
    tpu.wait_dma2 semaphore(%arg7 : memref<!tpu.dma_semaphore, #tpu.memory_space<semaphore_mem>>) src(%dma_wait3A_104 : memref<1x512x64xf32, #tpu.memory_space<hbm>>) dst(%arg5 : memref<1x512x64xf32, #tpu.memory_space<vmem>>)
    %add3A_105 = arith.constant 0 : i32
    %add3A_106 = arith.addi %mul3A_2, %add3A_105 : i32
    %dma_start3A_107 = arith.constant 1536 : i32
    %dma_start3A_108 = arith.constant 0 : i32
    %dma_start3A_109 = tpu.memref_slice %arg3[%add3A_106, %dma_start3A_107, %dma_start3A_108] : memref<64x8192x64xf32, #tpu.memory_space<hbm>> -> memref<1x512x64xf32, #tpu.memory_space<hbm>>
    %dma_start3A_110 = arith.constant 1536 : i32
    %dma_start3A_111 = arith.constant 0 : i32
    %dma_start3A_112 = tpu.memref_slice %arg3[%add3A_106, %dma_start3A_110, %dma_start3A_111] : memref<64x8192x64xf32, #tpu.memory_space<hbm>> -> memref<1x512x64xf32, #tpu.memory_space<hbm>>
    tpu.enqueue_dma source(%arg5 : memref<1x512x64xf32, #tpu.memory_space<vmem>>) target(%dma_start3A_112 : memref<1x512x64xf32, #tpu.memory_space<hbm>>) target_semaphore(%arg9 : memref<!tpu.dma_semaphore, #tpu.memory_space<semaphore_mem>>)
    %add3A_113 = arith.constant 0 : i32
    %add3A_114 = arith.addi %mul3A_2, %add3A_113 : i32
    %dma_wait3A_115 = arith.constant 1024 : i32
    %dma_wait3A_116 = arith.constant 0 : i32
    %dma_wait3A_117 = tpu.memref_slice %arg3[%add3A_114, %dma_wait3A_115, %dma_wait3A_116] : memref<64x8192x64xf32, #tpu.memory_space<hbm>> -> memref<1x512x64xf32, #tpu.memory_space<hbm>>
    %dma_wait3A_118 = arith.constant 1024 : i32
    %dma_wait3A_119 = arith.constant 0 : i32
    %dma_wait3A_120 = tpu.memref_slice %arg3[%add3A_114, %dma_wait3A_118, %dma_wait3A_119] : memref<64x8192x64xf32, #tpu.memory_space<hbm>> -> memref<1x512x64xf32, #tpu.memory_space<hbm>>
    tpu.wait_dma2 semaphore(%arg8 : memref<!tpu.dma_semaphore, #tpu.memory_space<semaphore_mem>>) src(%arg4 : memref<1x512x64xf32, #tpu.memory_space<vmem>>) dst(%dma_wait3A_120 : memref<1x512x64xf32, #tpu.memory_space<hbm>>)
    %add3A_121 = arith.constant 0 : i32
    %add3A_122 = arith.addi %mul3A_2, %add3A_121 : i32
    %dma_start3A_123 = arith.constant 2048 : i32
    %dma_start3A_124 = arith.constant 0 : i32
    %dma_start3A_125 = tpu.memref_slice %arg2[%add3A_122, %dma_start3A_123, %dma_start3A_124] : memref<64x8192x64xf32, #tpu.memory_space<hbm>> -> memref<1x512x64xf32, #tpu.memory_space<hbm>>
    %dma_start3A_126 = arith.constant 2048 : i32
    %dma_start3A_127 = arith.constant 0 : i32
    %dma_start3A_128 = tpu.memref_slice %arg2[%add3A_122, %dma_start3A_126, %dma_start3A_127] : memref<64x8192x64xf32, #tpu.memory_space<hbm>> -> memref<1x512x64xf32, #tpu.memory_space<hbm>>
    tpu.enqueue_dma source(%dma_start3A_128 : memref<1x512x64xf32, #tpu.memory_space<hbm>>) target(%arg4 : memref<1x512x64xf32, #tpu.memory_space<vmem>>) target_semaphore(%arg6 : memref<!tpu.dma_semaphore, #tpu.memory_space<semaphore_mem>>)
    %add3A_129 = arith.constant 0 : i32
    %add3A_130 = arith.addi %mul3A_2, %add3A_129 : i32
    %dma_wait3A_131 = arith.constant 2048 : i32
    %dma_wait3A_132 = arith.constant 0 : i32
    %dma_wait3A_133 = tpu.memref_slice %arg2[%add3A_130, %dma_wait3A_131, %dma_wait3A_132] : memref<64x8192x64xf32, #tpu.memory_space<hbm>> -> memref<1x512x64xf32, #tpu.memory_space<hbm>>
    %dma_wait3A_134 = arith.constant 2048 : i32
    %dma_wait3A_135 = arith.constant 0 : i32
    %dma_wait3A_136 = tpu.memref_slice %arg2[%add3A_130, %dma_wait3A_134, %dma_wait3A_135] : memref<64x8192x64xf32, #tpu.memory_space<hbm>> -> memref<1x512x64xf32, #tpu.memory_space<hbm>>
    tpu.wait_dma2 semaphore(%arg6 : memref<!tpu.dma_semaphore, #tpu.memory_space<semaphore_mem>>) src(%dma_wait3A_136 : memref<1x512x64xf32, #tpu.memory_space<hbm>>) dst(%arg4 : memref<1x512x64xf32, #tpu.memory_space<vmem>>)
    %add3A_137 = arith.constant 0 : i32
    %add3A_138 = arith.addi %mul3A_2, %add3A_137 : i32
    %dma_start3A_139 = arith.constant 2048 : i32
    %dma_start3A_140 = arith.constant 0 : i32
    %dma_start3A_141 = tpu.memref_slice %arg3[%add3A_138, %dma_start3A_139, %dma_start3A_140] : memref<64x8192x64xf32, #tpu.memory_space<hbm>> -> memref<1x512x64xf32, #tpu.memory_space<hbm>>
    %dma_start3A_142 = arith.constant 2048 : i32
    %dma_start3A_143 = arith.constant 0 : i32
    %dma_start3A_144 = tpu.memref_slice %arg3[%add3A_138, %dma_start3A_142, %dma_start3A_143] : memref<64x8192x64xf32, #tpu.memory_space<hbm>> -> memref<1x512x64xf32, #tpu.memory_space<hbm>>
    tpu.enqueue_dma source(%arg4 : memref<1x512x64xf32, #tpu.memory_space<vmem>>) target(%dma_start3A_144 : memref<1x512x64xf32, #tpu.memory_space<hbm>>) target_semaphore(%arg8 : memref<!tpu.dma_semaphore, #tpu.memory_space<semaphore_mem>>)
    %add3A_145 = arith.constant 0 : i32
    %add3A_146 = arith.addi %mul3A_2, %add3A_145 : i32
    %dma_wait3A_147 = arith.constant 1536 : i32
    %dma_wait3A_148 = arith.constant 0 : i32
    %dma_wait3A_149 = tpu.memref_slice %arg3[%add3A_146, %dma_wait3A_147, %dma_wait3A_148] : memref<64x8192x64xf32, #tpu.memory_space<hbm>> -> memref<1x512x64xf32, #tpu.memory_space<hbm>>
    %dma_wait3A_150 = arith.constant 1536 : i32
    %dma_wait3A_151 = arith.constant 0 : i32
    %dma_wait3A_152 = tpu.memref_slice %arg3[%add3A_146, %dma_wait3A_150, %dma_wait3A_151] : memref<64x8192x64xf32, #tpu.memory_space<hbm>> -> memref<1x512x64xf32, #tpu.memory_space<hbm>>
    tpu.wait_dma2 semaphore(%arg9 : memref<!tpu.dma_semaphore, #tpu.memory_space<semaphore_mem>>) src(%arg5 : memref<1x512x64xf32, #tpu.memory_space<vmem>>) dst(%dma_wait3A_152 : memref<1x512x64xf32, #tpu.memory_space<hbm>>)
    %add3A_153 = arith.constant 0 : i32
    %add3A_154 = arith.addi %mul3A_2, %add3A_153 : i32
    %dma_start3A_155 = arith.constant 2560 : i32
    %dma_start3A_156 = arith.constant 0 : i32
    %dma_start3A_157 = tpu.memref_slice %arg2[%add3A_154, %dma_start3A_155, %dma_start3A_156] : memref<64x8192x64xf32, #tpu.memory_space<hbm>> -> memref<1x512x64xf32, #tpu.memory_space<hbm>>
    %dma_start3A_158 = arith.constant 2560 : i32
    %dma_start3A_159 = arith.constant 0 : i32
    %dma_start3A_160 = tpu.memref_slice %arg2[%add3A_154, %dma_start3A_158, %dma_start3A_159] : memref<64x8192x64xf32, #tpu.memory_space<hbm>> -> memref<1x512x64xf32, #tpu.memory_space<hbm>>
    tpu.enqueue_dma source(%dma_start3A_160 : memref<1x512x64xf32, #tpu.memory_space<hbm>>) target(%arg5 : memref<1x512x64xf32, #tpu.memory_space<vmem>>) target_semaphore(%arg7 : memref<!tpu.dma_semaphore, #tpu.memory_space<semaphore_mem>>)
    %add3A_161 = arith.constant 0 : i32
    %add3A_162 = arith.addi %mul3A_2, %add3A_161 : i32
    %dma_wait3A_163 = arith.constant 2560 : i32
    %dma_wait3A_164 = arith.constant 0 : i32
    %dma_wait3A_165 = tpu.memref_slice %arg2[%add3A_162, %dma_wait3A_163, %dma_wait3A_164] : memref<64x8192x64xf32, #tpu.memory_space<hbm>> -> memref<1x512x64xf32, #tpu.memory_space<hbm>>
    %dma_wait3A_166 = arith.constant 2560 : i32
    %dma_wait3A_167 = arith.constant 0 : i32
    %dma_wait3A_168 = tpu.memref_slice %arg2[%add3A_162, %dma_wait3A_166, %dma_wait3A_167] : memref<64x8192x64xf32, #tpu.memory_space<hbm>> -> memref<1x512x64xf32, #tpu.memory_space<hbm>>
    tpu.wait_dma2 semaphore(%arg7 : memref<!tpu.dma_semaphore, #tpu.memory_space<semaphore_mem>>) src(%dma_wait3A_168 : memref<1x512x64xf32, #tpu.memory_space<hbm>>) dst(%arg5 : memref<1x512x64xf32, #tpu.memory_space<vmem>>)
    %add3A_169 = arith.constant 0 : i32
    %add3A_170 = arith.addi %mul3A_2, %add3A_169 : i32
    %dma_start3A_171 = arith.constant 2560 : i32
    %dma_start3A_172 = arith.constant 0 : i32
    %dma_start3A_173 = tpu.memref_slice %arg3[%add3A_170, %dma_start3A_171, %dma_start3A_172] : memref<64x8192x64xf32, #tpu.memory_space<hbm>> -> memref<1x512x64xf32, #tpu.memory_space<hbm>>
    %dma_start3A_174 = arith.constant 2560 : i32
    %dma_start3A_175 = arith.constant 0 : i32
    %dma_start3A_176 = tpu.memref_slice %arg3[%add3A_170, %dma_start3A_174, %dma_start3A_175] : memref<64x8192x64xf32, #tpu.memory_space<hbm>> -> memref<1x512x64xf32, #tpu.memory_space<hbm>>
    tpu.enqueue_dma source(%arg5 : memref<1x512x64xf32, #tpu.memory_space<vmem>>) target(%dma_start3A_176 : memref<1x512x64xf32, #tpu.memory_space<hbm>>) target_semaphore(%arg9 : memref<!tpu.dma_semaphore, #tpu.memory_space<semaphore_mem>>)
    %add3A_177 = arith.constant 0 : i32
    %add3A_178 = arith.addi %mul3A_2, %add3A_177 : i32
    %dma_wait3A_179 = arith.constant 2048 : i32
    %dma_wait3A_180 = arith.constant 0 : i32
    %dma_wait3A_181 = tpu.memref_slice %arg3[%add3A_178, %dma_wait3A_179, %dma_wait3A_180] : memref<64x8192x64xf32, #tpu.memory_space<hbm>> -> memref<1x512x64xf32, #tpu.memory_space<hbm>>
    %dma_wait3A_182 = arith.constant 2048 : i32
    %dma_wait3A_183 = arith.constant 0 : i32
    %dma_wait3A_184 = tpu.memref_slice %arg3[%add3A_178, %dma_wait3A_182, %dma_wait3A_183] : memref<64x8192x64xf32, #tpu.memory_space<hbm>> -> memref<1x512x64xf32, #tpu.memory_space<hbm>>
    tpu.wait_dma2 semaphore(%arg8 : memref<!tpu.dma_semaphore, #tpu.memory_space<semaphore_mem>>) src(%arg4 : memref<1x512x64xf32, #tpu.memory_space<vmem>>) dst(%dma_wait3A_184 : memref<1x512x64xf32, #tpu.memory_space<hbm>>)
    %add3A_185 = arith.constant 0 : i32
    %add3A_186 = arith.addi %mul3A_2, %add3A_185 : i32
    %dma_start3A_187 = arith.constant 3072 : i32
    %dma_start3A_188 = arith.constant 0 : i32
    %dma_start3A_189 = tpu.memref_slice %arg2[%add3A_186, %dma_start3A_187, %dma_start3A_188] : memref<64x8192x64xf32, #tpu.memory_space<hbm>> -> memref<1x512x64xf32, #tpu.memory_space<hbm>>
    %dma_start3A_190 = arith.constant 3072 : i32
    %dma_start3A_191 = arith.constant 0 : i32
    %dma_start3A_192 = tpu.memref_slice %arg2[%add3A_186, %dma_start3A_190, %dma_start3A_191] : memref<64x8192x64xf32, #tpu.memory_space<hbm>> -> memref<1x512x64xf32, #tpu.memory_space<hbm>>
    tpu.enqueue_dma source(%dma_start3A_192 : memref<1x512x64xf32, #tpu.memory_space<hbm>>) target(%arg4 : memref<1x512x64xf32, #tpu.memory_space<vmem>>) target_semaphore(%arg6 : memref<!tpu.dma_semaphore, #tpu.memory_space<semaphore_mem>>)
    %add3A_193 = arith.constant 0 : i32
    %add3A_194 = arith.addi %mul3A_2, %add3A_193 : i32
    %dma_wait3A_195 = arith.constant 3072 : i32
    %dma_wait3A_196 = arith.constant 0 : i32
    %dma_wait3A_197 = tpu.memref_slice %arg2[%add3A_194, %dma_wait3A_195, %dma_wait3A_196] : memref<64x8192x64xf32, #tpu.memory_space<hbm>> -> memref<1x512x64xf32, #tpu.memory_space<hbm>>
    %dma_wait3A_198 = arith.constant 3072 : i32
    %dma_wait3A_199 = arith.constant 0 : i32
    %dma_wait3A_200 = tpu.memref_slice %arg2[%add3A_194, %dma_wait3A_198, %dma_wait3A_199] : memref<64x8192x64xf32, #tpu.memory_space<hbm>> -> memref<1x512x64xf32, #tpu.memory_space<hbm>>
    tpu.wait_dma2 semaphore(%arg6 : memref<!tpu.dma_semaphore, #tpu.memory_space<semaphore_mem>>) src(%dma_wait3A_200 : memref<1x512x64xf32, #tpu.memory_space<hbm>>) dst(%arg4 : memref<1x512x64xf32, #tpu.memory_space<vmem>>)
    %add3A_201 = arith.constant 0 : i32
    %add3A_202 = arith.addi %mul3A_2, %add3A_201 : i32
    %dma_start3A_203 = arith.constant 3072 : i32
    %dma_start3A_204 = arith.constant 0 : i32
    %dma_start3A_205 = tpu.memref_slice %arg3[%add3A_202, %dma_start3A_203, %dma_start3A_204] : memref<64x8192x64xf32, #tpu.memory_space<hbm>> -> memref<1x512x64xf32, #tpu.memory_space<hbm>>
    %dma_start3A_206 = arith.constant 3072 : i32
    %dma_start3A_207 = arith.constant 0 : i32
    %dma_start3A_208 = tpu.memref_slice %arg3[%add3A_202, %dma_start3A_206, %dma_start3A_207] : memref<64x8192x64xf32, #tpu.memory_space<hbm>> -> memref<1x512x64xf32, #tpu.memory_space<hbm>>
    tpu.enqueue_dma source(%arg4 : memref<1x512x64xf32, #tpu.memory_space<vmem>>) target(%dma_start3A_208 : memref<1x512x64xf32, #tpu.memory_space<hbm>>) target_semaphore(%arg8 : memref<!tpu.dma_semaphore, #tpu.memory_space<semaphore_mem>>)
    %add3A_209 = arith.constant 0 : i32
    %add3A_210 = arith.addi %mul3A_2, %add3A_209 : i32
    %dma_wait3A_211 = arith.constant 2560 : i32
    %dma_wait3A_212 = arith.constant 0 : i32
    %dma_wait3A_213 = tpu.memref_slice %arg3[%add3A_210, %dma_wait3A_211, %dma_wait3A_212] : memref<64x8192x64xf32, #tpu.memory_space<hbm>> -> memref<1x512x64xf32, #tpu.memory_space<hbm>>
    %dma_wait3A_214 = arith.constant 2560 : i32
    %dma_wait3A_215 = arith.constant 0 : i32
    %dma_wait3A_216 = tpu.memref_slice %arg3[%add3A_210, %dma_wait3A_214, %dma_wait3A_215] : memref<64x8192x64xf32, #tpu.memory_space<hbm>> -> memref<1x512x64xf32, #tpu.memory_space<hbm>>
    tpu.wait_dma2 semaphore(%arg9 : memref<!tpu.dma_semaphore, #tpu.memory_space<semaphore_mem>>) src(%arg5 : memref<1x512x64xf32, #tpu.memory_space<vmem>>) dst(%dma_wait3A_216 : memref<1x512x64xf32, #tpu.memory_space<hbm>>)
    %add3A_217 = arith.constant 0 : i32
    %add3A_218 = arith.addi %mul3A_2, %add3A_217 : i32
    %dma_start3A_219 = arith.constant 3584 : i32
    %dma_start3A_220 = arith.constant 0 : i32
    %dma_start3A_221 = tpu.memref_slice %arg2[%add3A_218, %dma_start3A_219, %dma_start3A_220] : memref<64x8192x64xf32, #tpu.memory_space<hbm>> -> memref<1x512x64xf32, #tpu.memory_space<hbm>>
    %dma_start3A_222 = arith.constant 3584 : i32
    %dma_start3A_223 = arith.constant 0 : i32
    %dma_start3A_224 = tpu.memref_slice %arg2[%add3A_218, %dma_start3A_222, %dma_start3A_223] : memref<64x8192x64xf32, #tpu.memory_space<hbm>> -> memref<1x512x64xf32, #tpu.memory_space<hbm>>
    tpu.enqueue_dma source(%dma_start3A_224 : memref<1x512x64xf32, #tpu.memory_space<hbm>>) target(%arg5 : memref<1x512x64xf32, #tpu.memory_space<vmem>>) target_semaphore(%arg7 : memref<!tpu.dma_semaphore, #tpu.memory_space<semaphore_mem>>)
    %add3A_225 = arith.constant 0 : i32
    %add3A_226 = arith.addi %mul3A_2, %add3A_225 : i32
    %dma_wait3A_227 = arith.constant 3584 : i32
    %dma_wait3A_228 = arith.constant 0 : i32
    %dma_wait3A_229 = tpu.memref_slice %arg2[%add3A_226, %dma_wait3A_227, %dma_wait3A_228] : memref<64x8192x64xf32, #tpu.memory_space<hbm>> -> memref<1x512x64xf32, #tpu.memory_space<hbm>>
    %dma_wait3A_230 = arith.constant 3584 : i32
    %dma_wait3A_231 = arith.constant 0 : i32
    %dma_wait3A_232 = tpu.memref_slice %arg2[%add3A_226, %dma_wait3A_230, %dma_wait3A_231] : memref<64x8192x64xf32, #tpu.memory_space<hbm>> -> memref<1x512x64xf32, #tpu.memory_space<hbm>>
    tpu.wait_dma2 semaphore(%arg7 : memref<!tpu.dma_semaphore, #tpu.memory_space<semaphore_mem>>) src(%dma_wait3A_232 : memref<1x512x64xf32, #tpu.memory_space<hbm>>) dst(%arg5 : memref<1x512x64xf32, #tpu.memory_space<vmem>>)
    %add3A_233 = arith.constant 0 : i32
    %add3A_234 = arith.addi %mul3A_2, %add3A_233 : i32
    %dma_start3A_235 = arith.constant 3584 : i32
    %dma_start3A_236 = arith.constant 0 : i32
    %dma_start3A_237 = tpu.memref_slice %arg3[%add3A_234, %dma_start3A_235, %dma_start3A_236] : memref<64x8192x64xf32, #tpu.memory_space<hbm>> -> memref<1x512x64xf32, #tpu.memory_space<hbm>>
    %dma_start3A_238 = arith.constant 3584 : i32
    %dma_start3A_239 = arith.constant 0 : i32
    %dma_start3A_240 = tpu.memref_slice %arg3[%add3A_234, %dma_start3A_238, %dma_start3A_239] : memref<64x8192x64xf32, #tpu.memory_space<hbm>> -> memref<1x512x64xf32, #tpu.memory_space<hbm>>
    tpu.enqueue_dma source(%arg5 : memref<1x512x64xf32, #tpu.memory_space<vmem>>) target(%dma_start3A_240 : memref<1x512x64xf32, #tpu.memory_space<hbm>>) target_semaphore(%arg9 : memref<!tpu.dma_semaphore, #tpu.memory_space<semaphore_mem>>)
    %add3A_241 = arith.constant 0 : i32
    %add3A_242 = arith.addi %mul3A_2, %add3A_241 : i32
    %dma_wait3A_243 = arith.constant 3072 : i32
    %dma_wait3A_244 = arith.constant 0 : i32
    %dma_wait3A_245 = tpu.memref_slice %arg3[%add3A_242, %dma_wait3A_243, %dma_wait3A_244] : memref<64x8192x64xf32, #tpu.memory_space<hbm>> -> memref<1x512x64xf32, #tpu.memory_space<hbm>>
    %dma_wait3A_246 = arith.constant 3072 : i32
    %dma_wait3A_247 = arith.constant 0 : i32
    %dma_wait3A_248 = tpu.memref_slice %arg3[%add3A_242, %dma_wait3A_246, %dma_wait3A_247] : memref<64x8192x64xf32, #tpu.memory_space<hbm>> -> memref<1x512x64xf32, #tpu.memory_space<hbm>>
    tpu.wait_dma2 semaphore(%arg8 : memref<!tpu.dma_semaphore, #tpu.memory_space<semaphore_mem>>) src(%arg4 : memref<1x512x64xf32, #tpu.memory_space<vmem>>) dst(%dma_wait3A_248 : memref<1x512x64xf32, #tpu.memory_space<hbm>>)
    %add3A_249 = arith.constant 0 : i32
    %add3A_250 = arith.addi %mul3A_2, %add3A_249 : i32
    %dma_start3A_251 = arith.constant 4096 : i32
    %dma_start3A_252 = arith.constant 0 : i32
    %dma_start3A_253 = tpu.memref_slice %arg2[%add3A_250, %dma_start3A_251, %dma_start3A_252] : memref<64x8192x64xf32, #tpu.memory_space<hbm>> -> memref<1x512x64xf32, #tpu.memory_space<hbm>>
    %dma_start3A_254 = arith.constant 4096 : i32
    %dma_start3A_255 = arith.constant 0 : i32
    %dma_start3A_256 = tpu.memref_slice %arg2[%add3A_250, %dma_start3A_254, %dma_start3A_255] : memref<64x8192x64xf32, #tpu.memory_space<hbm>> -> memref<1x512x64xf32, #tpu.memory_space<hbm>>
    tpu.enqueue_dma source(%dma_start3A_256 : memref<1x512x64xf32, #tpu.memory_space<hbm>>) target(%arg4 : memref<1x512x64xf32, #tpu.memory_space<vmem>>) target_semaphore(%arg6 : memref<!tpu.dma_semaphore, #tpu.memory_space<semaphore_mem>>)
    %add3A_257 = arith.constant 0 : i32
    %add3A_258 = arith.addi %mul3A_2, %add3A_257 : i32
    %dma_wait3A_259 = arith.constant 4096 : i32
    %dma_wait3A_260 = arith.constant 0 : i32
    %dma_wait3A_261 = tpu.memref_slice %arg2[%add3A_258, %dma_wait3A_259, %dma_wait3A_260] : memref<64x8192x64xf32, #tpu.memory_space<hbm>> -> memref<1x512x64xf32, #tpu.memory_space<hbm>>
    %dma_wait3A_262 = arith.constant 4096 : i32
    %dma_wait3A_263 = arith.constant 0 : i32
    %dma_wait3A_264 = tpu.memref_slice %arg2[%add3A_258, %dma_wait3A_262, %dma_wait3A_263] : memref<64x8192x64xf32, #tpu.memory_space<hbm>> -> memref<1x512x64xf32, #tpu.memory_space<hbm>>
    tpu.wait_dma2 semaphore(%arg6 : memref<!tpu.dma_semaphore, #tpu.memory_space<semaphore_mem>>) src(%dma_wait3A_264 : memref<1x512x64xf32, #tpu.memory_space<hbm>>) dst(%arg4 : memref<1x512x64xf32, #tpu.memory_space<vmem>>)
    %add3A_265 = arith.constant 0 : i32
    %add3A_266 = arith.addi %mul3A_2, %add3A_265 : i32
    %dma_start3A_267 = arith.constant 4096 : i32
    %dma_start3A_268 = arith.constant 0 : i32
    %dma_start3A_269 = tpu.memref_slice %arg3[%add3A_266, %dma_start3A_267, %dma_start3A_268] : memref<64x8192x64xf32, #tpu.memory_space<hbm>> -> memref<1x512x64xf32, #tpu.memory_space<hbm>>
    %dma_start3A_270 = arith.constant 4096 : i32
    %dma_start3A_271 = arith.constant 0 : i32
    %dma_start3A_272 = tpu.memref_slice %arg3[%add3A_266, %dma_start3A_270, %dma_start3A_271] : memref<64x8192x64xf32, #tpu.memory_space<hbm>> -> memref<1x512x64xf32, #tpu.memory_space<hbm>>
    tpu.enqueue_dma source(%arg4 : memref<1x512x64xf32, #tpu.memory_space<vmem>>) target(%dma_start3A_272 : memref<1x512x64xf32, #tpu.memory_space<hbm>>) target_semaphore(%arg8 : memref<!tpu.dma_semaphore, #tpu.memory_space<semaphore_mem>>)
    %add3A_273 = arith.constant 0 : i32
    %add3A_274 = arith.addi %mul3A_2, %add3A_273 : i32
    %dma_wait3A_275 = arith.constant 3584 : i32
    %dma_wait3A_276 = arith.constant 0 : i32
    %dma_wait3A_277 = tpu.memref_slice %arg3[%add3A_274, %dma_wait3A_275, %dma_wait3A_276] : memref<64x8192x64xf32, #tpu.memory_space<hbm>> -> memref<1x512x64xf32, #tpu.memory_space<hbm>>
    %dma_wait3A_278 = arith.constant 3584 : i32
    %dma_wait3A_279 = arith.constant 0 : i32
    %dma_wait3A_280 = tpu.memref_slice %arg3[%add3A_274, %dma_wait3A_278, %dma_wait3A_279] : memref<64x8192x64xf32, #tpu.memory_space<hbm>> -> memref<1x512x64xf32, #tpu.memory_space<hbm>>
    tpu.wait_dma2 semaphore(%arg9 : memref<!tpu.dma_semaphore, #tpu.memory_space<semaphore_mem>>) src(%arg5 : memref<1x512x64xf32, #tpu.memory_space<vmem>>) dst(%dma_wait3A_280 : memref<1x512x64xf32, #tpu.memory_space<hbm>>)
    %add3A_281 = arith.constant 0 : i32
    %add3A_282 = arith.addi %mul3A_2, %add3A_281 : i32
    %dma_start3A_283 = arith.constant 4608 : i32
    %dma_start3A_284 = arith.constant 0 : i32
    %dma_start3A_285 = tpu.memref_slice %arg2[%add3A_282, %dma_start3A_283, %dma_start3A_284] : memref<64x8192x64xf32, #tpu.memory_space<hbm>> -> memref<1x512x64xf32, #tpu.memory_space<hbm>>
    %dma_start3A_286 = arith.constant 4608 : i32
    %dma_start3A_287 = arith.constant 0 : i32
    %dma_start3A_288 = tpu.memref_slice %arg2[%add3A_282, %dma_start3A_286, %dma_start3A_287] : memref<64x8192x64xf32, #tpu.memory_space<hbm>> -> memref<1x512x64xf32, #tpu.memory_space<hbm>>
    tpu.enqueue_dma source(%dma_start3A_288 : memref<1x512x64xf32, #tpu.memory_space<hbm>>) target(%arg5 : memref<1x512x64xf32, #tpu.memory_space<vmem>>) target_semaphore(%arg7 : memref<!tpu.dma_semaphore, #tpu.memory_space<semaphore_mem>>)
    %add3A_289 = arith.constant 0 : i32
    %add3A_290 = arith.addi %mul3A_2, %add3A_289 : i32
    %dma_wait3A_291 = arith.constant 4608 : i32
    %dma_wait3A_292 = arith.constant 0 : i32
    %dma_wait3A_293 = tpu.memref_slice %arg2[%add3A_290, %dma_wait3A_291, %dma_wait3A_292] : memref<64x8192x64xf32, #tpu.memory_space<hbm>> -> memref<1x512x64xf32, #tpu.memory_space<hbm>>
    %dma_wait3A_294 = arith.constant 4608 : i32
    %dma_wait3A_295 = arith.constant 0 : i32
    %dma_wait3A_296 = tpu.memref_slice %arg2[%add3A_290, %dma_wait3A_294, %dma_wait3A_295] : memref<64x8192x64xf32, #tpu.memory_space<hbm>> -> memref<1x512x64xf32, #tpu.memory_space<hbm>>
    tpu.wait_dma2 semaphore(%arg7 : memref<!tpu.dma_semaphore, #tpu.memory_space<semaphore_mem>>) src(%dma_wait3A_296 : memref<1x512x64xf32, #tpu.memory_space<hbm>>) dst(%arg5 : memref<1x512x64xf32, #tpu.memory_space<vmem>>)
    %add3A_297 = arith.constant 0 : i32
    %add3A_298 = arith.addi %mul3A_2, %add3A_297 : i32
    %dma_start3A_299 = arith.constant 4608 : i32
    %dma_start3A_300 = arith.constant 0 : i32
    %dma_start3A_301 = tpu.memref_slice %arg3[%add3A_298, %dma_start3A_299, %dma_start3A_300] : memref<64x8192x64xf32, #tpu.memory_space<hbm>> -> memref<1x512x64xf32, #tpu.memory_space<hbm>>
    %dma_start3A_302 = arith.constant 4608 : i32
    %dma_start3A_303 = arith.constant 0 : i32
    %dma_start3A_304 = tpu.memref_slice %arg3[%add3A_298, %dma_start3A_302, %dma_start3A_303] : memref<64x8192x64xf32, #tpu.memory_space<hbm>> -> memref<1x512x64xf32, #tpu.memory_space<hbm>>
    tpu.enqueue_dma source(%arg5 : memref<1x512x64xf32, #tpu.memory_space<vmem>>) target(%dma_start3A_304 : memref<1x512x64xf32, #tpu.memory_space<hbm>>) target_semaphore(%arg9 : memref<!tpu.dma_semaphore, #tpu.memory_space<semaphore_mem>>)
    %add3A_305 = arith.constant 0 : i32
    %add3A_306 = arith.addi %mul3A_2, %add3A_305 : i32
    %dma_wait3A_307 = arith.constant 4096 : i32
    %dma_wait3A_308 = arith.constant 0 : i32
    %dma_wait3A_309 = tpu.memref_slice %arg3[%add3A_306, %dma_wait3A_307, %dma_wait3A_308] : memref<64x8192x64xf32, #tpu.memory_space<hbm>> -> memref<1x512x64xf32, #tpu.memory_space<hbm>>
    %dma_wait3A_310 = arith.constant 4096 : i32
    %dma_wait3A_311 = arith.constant 0 : i32
    %dma_wait3A_312 = tpu.memref_slice %arg3[%add3A_306, %dma_wait3A_310, %dma_wait3A_311] : memref<64x8192x64xf32, #tpu.memory_space<hbm>> -> memref<1x512x64xf32, #tpu.memory_space<hbm>>
    tpu.wait_dma2 semaphore(%arg8 : memref<!tpu.dma_semaphore, #tpu.memory_space<semaphore_mem>>) src(%arg4 : memref<1x512x64xf32, #tpu.memory_space<vmem>>) dst(%dma_wait3A_312 : memref<1x512x64xf32, #tpu.memory_space<hbm>>)
    %add3A_313 = arith.constant 0 : i32
    %add3A_314 = arith.addi %mul3A_2, %add3A_313 : i32
    %dma_start3A_315 = arith.constant 5120 : i32
    %dma_start3A_316 = arith.constant 0 : i32
    %dma_start3A_317 = tpu.memref_slice %arg2[%add3A_314, %dma_start3A_315, %dma_start3A_316] : memref<64x8192x64xf32, #tpu.memory_space<hbm>> -> memref<1x512x64xf32, #tpu.memory_space<hbm>>
    %dma_start3A_318 = arith.constant 5120 : i32
    %dma_start3A_319 = arith.constant 0 : i32
    %dma_start3A_320 = tpu.memref_slice %arg2[%add3A_314, %dma_start3A_318, %dma_start3A_319] : memref<64x8192x64xf32, #tpu.memory_space<hbm>> -> memref<1x512x64xf32, #tpu.memory_space<hbm>>
    tpu.enqueue_dma source(%dma_start3A_320 : memref<1x512x64xf32, #tpu.memory_space<hbm>>) target(%arg4 : memref<1x512x64xf32, #tpu.memory_space<vmem>>) target_semaphore(%arg6 : memref<!tpu.dma_semaphore, #tpu.memory_space<semaphore_mem>>)
    %add3A_321 = arith.constant 0 : i32
    %add3A_322 = arith.addi %mul3A_2, %add3A_321 : i32
    %dma_wait3A_323 = arith.constant 5120 : i32
    %dma_wait3A_324 = arith.constant 0 : i32
    %dma_wait3A_325 = tpu.memref_slice %arg2[%add3A_322, %dma_wait3A_323, %dma_wait3A_324] : memref<64x8192x64xf32, #tpu.memory_space<hbm>> -> memref<1x512x64xf32, #tpu.memory_space<hbm>>
    %dma_wait3A_326 = arith.constant 5120 : i32
    %dma_wait3A_327 = arith.constant 0 : i32
    %dma_wait3A_328 = tpu.memref_slice %arg2[%add3A_322, %dma_wait3A_326, %dma_wait3A_327] : memref<64x8192x64xf32, #tpu.memory_space<hbm>> -> memref<1x512x64xf32, #tpu.memory_space<hbm>>
    tpu.wait_dma2 semaphore(%arg6 : memref<!tpu.dma_semaphore, #tpu.memory_space<semaphore_mem>>) src(%dma_wait3A_328 : memref<1x512x64xf32, #tpu.memory_space<hbm>>) dst(%arg4 : memref<1x512x64xf32, #tpu.memory_space<vmem>>)
    %add3A_329 = arith.constant 0 : i32
    %add3A_330 = arith.addi %mul3A_2, %add3A_329 : i32
    %dma_start3A_331 = arith.constant 5120 : i32
    %dma_start3A_332 = arith.constant 0 : i32
    %dma_start3A_333 = tpu.memref_slice %arg3[%add3A_330, %dma_start3A_331, %dma_start3A_332] : memref<64x8192x64xf32, #tpu.memory_space<hbm>> -> memref<1x512x64xf32, #tpu.memory_space<hbm>>
    %dma_start3A_334 = arith.constant 5120 : i32
    %dma_start3A_335 = arith.constant 0 : i32
    %dma_start3A_336 = tpu.memref_slice %arg3[%add3A_330, %dma_start3A_334, %dma_start3A_335] : memref<64x8192x64xf32, #tpu.memory_space<hbm>> -> memref<1x512x64xf32, #tpu.memory_space<hbm>>
    tpu.enqueue_dma source(%arg4 : memref<1x512x64xf32, #tpu.memory_space<vmem>>) target(%dma_start3A_336 : memref<1x512x64xf32, #tpu.memory_space<hbm>>) target_semaphore(%arg8 : memref<!tpu.dma_semaphore, #tpu.memory_space<semaphore_mem>>)
    %add3A_337 = arith.constant 0 : i32
    %add3A_338 = arith.addi %mul3A_2, %add3A_337 : i32
    %dma_wait3A_339 = arith.constant 4608 : i32
    %dma_wait3A_340 = arith.constant 0 : i32
    %dma_wait3A_341 = tpu.memref_slice %arg3[%add3A_338, %dma_wait3A_339, %dma_wait3A_340] : memref<64x8192x64xf32, #tpu.memory_space<hbm>> -> memref<1x512x64xf32, #tpu.memory_space<hbm>>
    %dma_wait3A_342 = arith.constant 4608 : i32
    %dma_wait3A_343 = arith.constant 0 : i32
    %dma_wait3A_344 = tpu.memref_slice %arg3[%add3A_338, %dma_wait3A_342, %dma_wait3A_343] : memref<64x8192x64xf32, #tpu.memory_space<hbm>> -> memref<1x512x64xf32, #tpu.memory_space<hbm>>
    tpu.wait_dma2 semaphore(%arg9 : memref<!tpu.dma_semaphore, #tpu.memory_space<semaphore_mem>>) src(%arg5 : memref<1x512x64xf32, #tpu.memory_space<vmem>>) dst(%dma_wait3A_344 : memref<1x512x64xf32, #tpu.memory_space<hbm>>)
    %add3A_345 = arith.constant 0 : i32
    %add3A_346 = arith.addi %mul3A_2, %add3A_345 : i32
    %dma_start3A_347 = arith.constant 5632 : i32
    %dma_start3A_348 = arith.constant 0 : i32
    %dma_start3A_349 = tpu.memref_slice %arg2[%add3A_346, %dma_start3A_347, %dma_start3A_348] : memref<64x8192x64xf32, #tpu.memory_space<hbm>> -> memref<1x512x64xf32, #tpu.memory_space<hbm>>
    %dma_start3A_350 = arith.constant 5632 : i32
    %dma_start3A_351 = arith.constant 0 : i32
    %dma_start3A_352 = tpu.memref_slice %arg2[%add3A_346, %dma_start3A_350, %dma_start3A_351] : memref<64x8192x64xf32, #tpu.memory_space<hbm>> -> memref<1x512x64xf32, #tpu.memory_space<hbm>>
    tpu.enqueue_dma source(%dma_start3A_352 : memref<1x512x64xf32, #tpu.memory_space<hbm>>) target(%arg5 : memref<1x512x64xf32, #tpu.memory_space<vmem>>) target_semaphore(%arg7 : memref<!tpu.dma_semaphore, #tpu.memory_space<semaphore_mem>>)
    %add3A_353 = arith.constant 0 : i32
    %add3A_354 = arith.addi %mul3A_2, %add3A_353 : i32
    %dma_wait3A_355 = arith.constant 5632 : i32
    %dma_wait3A_356 = arith.constant 0 : i32
    %dma_wait3A_357 = tpu.memref_slice %arg2[%add3A_354, %dma_wait3A_355, %dma_wait3A_356] : memref<64x8192x64xf32, #tpu.memory_space<hbm>> -> memref<1x512x64xf32, #tpu.memory_space<hbm>>
    %dma_wait3A_358 = arith.constant 5632 : i32
    %dma_wait3A_359 = arith.constant 0 : i32
    %dma_wait3A_360 = tpu.memref_slice %arg2[%add3A_354, %dma_wait3A_358, %dma_wait3A_359] : memref<64x8192x64xf32, #tpu.memory_space<hbm>> -> memref<1x512x64xf32, #tpu.memory_space<hbm>>
    tpu.wait_dma2 semaphore(%arg7 : memref<!tpu.dma_semaphore, #tpu.memory_space<semaphore_mem>>) src(%dma_wait3A_360 : memref<1x512x64xf32, #tpu.memory_space<hbm>>) dst(%arg5 : memref<1x512x64xf32, #tpu.memory_space<vmem>>)
    %add3A_361 = arith.constant 0 : i32
    %add3A_362 = arith.addi %mul3A_2, %add3A_361 : i32
    %dma_start3A_363 = arith.constant 5632 : i32
    %dma_start3A_364 = arith.constant 0 : i32
    %dma_start3A_365 = tpu.memref_slice %arg3[%add3A_362, %dma_start3A_363, %dma_start3A_364] : memref<64x8192x64xf32, #tpu.memory_space<hbm>> -> memref<1x512x64xf32, #tpu.memory_space<hbm>>
    %dma_start3A_366 = arith.constant 5632 : i32
    %dma_start3A_367 = arith.constant 0 : i32
    %dma_start3A_368 = tpu.memref_slice %arg3[%add3A_362, %dma_start3A_366, %dma_start3A_367] : memref<64x8192x64xf32, #tpu.memory_space<hbm>> -> memref<1x512x64xf32, #tpu.memory_space<hbm>>
    tpu.enqueue_dma source(%arg5 : memref<1x512x64xf32, #tpu.memory_space<vmem>>) target(%dma_start3A_368 : memref<1x512x64xf32, #tpu.memory_space<hbm>>) target_semaphore(%arg9 : memref<!tpu.dma_semaphore, #tpu.memory_space<semaphore_mem>>)
    %add3A_369 = arith.constant 0 : i32
    %add3A_370 = arith.addi %mul3A_2, %add3A_369 : i32
    %dma_wait3A_371 = arith.constant 5120 : i32
    %dma_wait3A_372 = arith.constant 0 : i32
    %dma_wait3A_373 = tpu.memref_slice %arg3[%add3A_370, %dma_wait3A_371, %dma_wait3A_372] : memref<64x8192x64xf32, #tpu.memory_space<hbm>> -> memref<1x512x64xf32, #tpu.memory_space<hbm>>
    %dma_wait3A_374 = arith.constant 5120 : i32
    %dma_wait3A_375 = arith.constant 0 : i32
    %dma_wait3A_376 = tpu.memref_slice %arg3[%add3A_370, %dma_wait3A_374, %dma_wait3A_375] : memref<64x8192x64xf32, #tpu.memory_space<hbm>> -> memref<1x512x64xf32, #tpu.memory_space<hbm>>
    tpu.wait_dma2 semaphore(%arg8 : memref<!tpu.dma_semaphore, #tpu.memory_space<semaphore_mem>>) src(%arg4 : memref<1x512x64xf32, #tpu.memory_space<vmem>>) dst(%dma_wait3A_376 : memref<1x512x64xf32, #tpu.memory_space<hbm>>)
    %add3A_377 = arith.constant 0 : i32
    %add3A_378 = arith.addi %mul3A_2, %add3A_377 : i32
    %dma_start3A_379 = arith.constant 6144 : i32
    %dma_start3A_380 = arith.constant 0 : i32
    %dma_start3A_381 = tpu.memref_slice %arg2[%add3A_378, %dma_start3A_379, %dma_start3A_380] : memref<64x8192x64xf32, #tpu.memory_space<hbm>> -> memref<1x512x64xf32, #tpu.memory_space<hbm>>
    %dma_start3A_382 = arith.constant 6144 : i32
    %dma_start3A_383 = arith.constant 0 : i32
    %dma_start3A_384 = tpu.memref_slice %arg2[%add3A_378, %dma_start3A_382, %dma_start3A_383] : memref<64x8192x64xf32, #tpu.memory_space<hbm>> -> memref<1x512x64xf32, #tpu.memory_space<hbm>>
    tpu.enqueue_dma source(%dma_start3A_384 : memref<1x512x64xf32, #tpu.memory_space<hbm>>) target(%arg4 : memref<1x512x64xf32, #tpu.memory_space<vmem>>) target_semaphore(%arg6 : memref<!tpu.dma_semaphore, #tpu.memory_space<semaphore_mem>>)
    %add3A_385 = arith.constant 0 : i32
    %add3A_386 = arith.addi %mul3A_2, %add3A_385 : i32
    %dma_wait3A_387 = arith.constant 6144 : i32
    %dma_wait3A_388 = arith.constant 0 : i32
    %dma_wait3A_389 = tpu.memref_slice %arg2[%add3A_386, %dma_wait3A_387, %dma_wait3A_388] : memref<64x8192x64xf32, #tpu.memory_space<hbm>> -> memref<1x512x64xf32, #tpu.memory_space<hbm>>
    %dma_wait3A_390 = arith.constant 6144 : i32
    %dma_wait3A_391 = arith.constant 0 : i32
    %dma_wait3A_392 = tpu.memref_slice %arg2[%add3A_386, %dma_wait3A_390, %dma_wait3A_391] : memref<64x8192x64xf32, #tpu.memory_space<hbm>> -> memref<1x512x64xf32, #tpu.memory_space<hbm>>
    tpu.wait_dma2 semaphore(%arg6 : memref<!tpu.dma_semaphore, #tpu.memory_space<semaphore_mem>>) src(%dma_wait3A_392 : memref<1x512x64xf32, #tpu.memory_space<hbm>>) dst(%arg4 : memref<1x512x64xf32, #tpu.memory_space<vmem>>)
    %add3A_393 = arith.constant 0 : i32
    %add3A_394 = arith.addi %mul3A_2, %add3A_393 : i32
    %dma_start3A_395 = arith.constant 6144 : i32
    %dma_start3A_396 = arith.constant 0 : i32
    %dma_start3A_397 = tpu.memref_slice %arg3[%add3A_394, %dma_start3A_395, %dma_start3A_396] : memref<64x8192x64xf32, #tpu.memory_space<hbm>> -> memref<1x512x64xf32, #tpu.memory_space<hbm>>
    %dma_start3A_398 = arith.constant 6144 : i32
    %dma_start3A_399 = arith.constant 0 : i32
    %dma_start3A_400 = tpu.memref_slice %arg3[%add3A_394, %dma_start3A_398, %dma_start3A_399] : memref<64x8192x64xf32, #tpu.memory_space<hbm>> -> memref<1x512x64xf32, #tpu.memory_space<hbm>>
    tpu.enqueue_dma source(%arg4 : memref<1x512x64xf32, #tpu.memory_space<vmem>>) target(%dma_start3A_400 : memref<1x512x64xf32, #tpu.memory_space<hbm>>) target_semaphore(%arg8 : memref<!tpu.dma_semaphore, #tpu.memory_space<semaphore_mem>>)
    %add3A_401 = arith.constant 0 : i32
    %add3A_402 = arith.addi %mul3A_2, %add3A_401 : i32
    %dma_wait3A_403 = arith.constant 5632 : i32
    %dma_wait3A_404 = arith.constant 0 : i32
    %dma_wait3A_405 = tpu.memref_slice %arg3[%add3A_402, %dma_wait3A_403, %dma_wait3A_404] : memref<64x8192x64xf32, #tpu.memory_space<hbm>> -> memref<1x512x64xf32, #tpu.memory_space<hbm>>
    %dma_wait3A_406 = arith.constant 5632 : i32
    %dma_wait3A_407 = arith.constant 0 : i32
    %dma_wait3A_408 = tpu.memref_slice %arg3[%add3A_402, %dma_wait3A_406, %dma_wait3A_407] : memref<64x8192x64xf32, #tpu.memory_space<hbm>> -> memref<1x512x64xf32, #tpu.memory_space<hbm>>
    tpu.wait_dma2 semaphore(%arg9 : memref<!tpu.dma_semaphore, #tpu.memory_space<semaphore_mem>>) src(%arg5 : memref<1x512x64xf32, #tpu.memory_space<vmem>>) dst(%dma_wait3A_408 : memref<1x512x64xf32, #tpu.memory_space<hbm>>)
    %add3A_409 = arith.constant 0 : i32
    %add3A_410 = arith.addi %mul3A_2, %add3A_409 : i32
    %dma_start3A_411 = arith.constant 6656 : i32
    %dma_start3A_412 = arith.constant 0 : i32
    %dma_start3A_413 = tpu.memref_slice %arg2[%add3A_410, %dma_start3A_411, %dma_start3A_412] : memref<64x8192x64xf32, #tpu.memory_space<hbm>> -> memref<1x512x64xf32, #tpu.memory_space<hbm>>
    %dma_start3A_414 = arith.constant 6656 : i32
    %dma_start3A_415 = arith.constant 0 : i32
    %dma_start3A_416 = tpu.memref_slice %arg2[%add3A_410, %dma_start3A_414, %dma_start3A_415] : memref<64x8192x64xf32, #tpu.memory_space<hbm>> -> memref<1x512x64xf32, #tpu.memory_space<hbm>>
    tpu.enqueue_dma source(%dma_start3A_416 : memref<1x512x64xf32, #tpu.memory_space<hbm>>) target(%arg5 : memref<1x512x64xf32, #tpu.memory_space<vmem>>) target_semaphore(%arg7 : memref<!tpu.dma_semaphore, #tpu.memory_space<semaphore_mem>>)
    %add3A_417 = arith.constant 0 : i32
    %add3A_418 = arith.addi %mul3A_2, %add3A_417 : i32
    %dma_wait3A_419 = arith.constant 6656 : i32
    %dma_wait3A_420 = arith.constant 0 : i32
    %dma_wait3A_421 = tpu.memref_slice %arg2[%add3A_418, %dma_wait3A_419, %dma_wait3A_420] : memref<64x8192x64xf32, #tpu.memory_space<hbm>> -> memref<1x512x64xf32, #tpu.memory_space<hbm>>
    %dma_wait3A_422 = arith.constant 6656 : i32
    %dma_wait3A_423 = arith.constant 0 : i32
    %dma_wait3A_424 = tpu.memref_slice %arg2[%add3A_418, %dma_wait3A_422, %dma_wait3A_423] : memref<64x8192x64xf32, #tpu.memory_space<hbm>> -> memref<1x512x64xf32, #tpu.memory_space<hbm>>
    tpu.wait_dma2 semaphore(%arg7 : memref<!tpu.dma_semaphore, #tpu.memory_space<semaphore_mem>>) src(%dma_wait3A_424 : memref<1x512x64xf32, #tpu.memory_space<hbm>>) dst(%arg5 : memref<1x512x64xf32, #tpu.memory_space<vmem>>)
    %add3A_425 = arith.constant 0 : i32
    %add3A_426 = arith.addi %mul3A_2, %add3A_425 : i32
    %dma_start3A_427 = arith.constant 6656 : i32
    %dma_start3A_428 = arith.constant 0 : i32
    %dma_start3A_429 = tpu.memref_slice %arg3[%add3A_426, %dma_start3A_427, %dma_start3A_428] : memref<64x8192x64xf32, #tpu.memory_space<hbm>> -> memref<1x512x64xf32, #tpu.memory_space<hbm>>
    %dma_start3A_430 = arith.constant 6656 : i32
    %dma_start3A_431 = arith.constant 0 : i32
    %dma_start3A_432 = tpu.memref_slice %arg3[%add3A_426, %dma_start3A_430, %dma_start3A_431] : memref<64x8192x64xf32, #tpu.memory_space<hbm>> -> memref<1x512x64xf32, #tpu.memory_space<hbm>>
    tpu.enqueue_dma source(%arg5 : memref<1x512x64xf32, #tpu.memory_space<vmem>>) target(%dma_start3A_432 : memref<1x512x64xf32, #tpu.memory_space<hbm>>) target_semaphore(%arg9 : memref<!tpu.dma_semaphore, #tpu.memory_space<semaphore_mem>>)
    %add3A_433 = arith.constant 0 : i32
    %add3A_434 = arith.addi %mul3A_2, %add3A_433 : i32
    %dma_wait3A_435 = arith.constant 6144 : i32
    %dma_wait3A_436 = arith.constant 0 : i32
    %dma_wait3A_437 = tpu.memref_slice %arg3[%add3A_434, %dma_wait3A_435, %dma_wait3A_436] : memref<64x8192x64xf32, #tpu.memory_space<hbm>> -> memref<1x512x64xf32, #tpu.memory_space<hbm>>
    %dma_wait3A_438 = arith.constant 6144 : i32
    %dma_wait3A_439 = arith.constant 0 : i32
    %dma_wait3A_440 = tpu.memref_slice %arg3[%add3A_434, %dma_wait3A_438, %dma_wait3A_439] : memref<64x8192x64xf32, #tpu.memory_space<hbm>> -> memref<1x512x64xf32, #tpu.memory_space<hbm>>
    tpu.wait_dma2 semaphore(%arg8 : memref<!tpu.dma_semaphore, #tpu.memory_space<semaphore_mem>>) src(%arg4 : memref<1x512x64xf32, #tpu.memory_space<vmem>>) dst(%dma_wait3A_440 : memref<1x512x64xf32, #tpu.memory_space<hbm>>)
    %add3A_441 = arith.constant 0 : i32
    %add3A_442 = arith.addi %mul3A_2, %add3A_441 : i32
    %dma_start3A_443 = arith.constant 7168 : i32
    %dma_start3A_444 = arith.constant 0 : i32
    %dma_start3A_445 = tpu.memref_slice %arg2[%add3A_442, %dma_start3A_443, %dma_start3A_444] : memref<64x8192x64xf32, #tpu.memory_space<hbm>> -> memref<1x512x64xf32, #tpu.memory_space<hbm>>
    %dma_start3A_446 = arith.constant 7168 : i32
    %dma_start3A_447 = arith.constant 0 : i32
    %dma_start3A_448 = tpu.memref_slice %arg2[%add3A_442, %dma_start3A_446, %dma_start3A_447] : memref<64x8192x64xf32, #tpu.memory_space<hbm>> -> memref<1x512x64xf32, #tpu.memory_space<hbm>>
    tpu.enqueue_dma source(%dma_start3A_448 : memref<1x512x64xf32, #tpu.memory_space<hbm>>) target(%arg4 : memref<1x512x64xf32, #tpu.memory_space<vmem>>) target_semaphore(%arg6 : memref<!tpu.dma_semaphore, #tpu.memory_space<semaphore_mem>>)
    %add3A_449 = arith.constant 0 : i32
    %add3A_450 = arith.addi %mul3A_2, %add3A_449 : i32
    %dma_wait3A_451 = arith.constant 7168 : i32
    %dma_wait3A_452 = arith.constant 0 : i32
    %dma_wait3A_453 = tpu.memref_slice %arg2[%add3A_450, %dma_wait3A_451, %dma_wait3A_452] : memref<64x8192x64xf32, #tpu.memory_space<hbm>> -> memref<1x512x64xf32, #tpu.memory_space<hbm>>
    %dma_wait3A_454 = arith.constant 7168 : i32
    %dma_wait3A_455 = arith.constant 0 : i32
    %dma_wait3A_456 = tpu.memref_slice %arg2[%add3A_450, %dma_wait3A_454, %dma_wait3A_455] : memref<64x8192x64xf32, #tpu.memory_space<hbm>> -> memref<1x512x64xf32, #tpu.memory_space<hbm>>
    tpu.wait_dma2 semaphore(%arg6 : memref<!tpu.dma_semaphore, #tpu.memory_space<semaphore_mem>>) src(%dma_wait3A_456 : memref<1x512x64xf32, #tpu.memory_space<hbm>>) dst(%arg4 : memref<1x512x64xf32, #tpu.memory_space<vmem>>)
    %add3A_457 = arith.constant 0 : i32
    %add3A_458 = arith.addi %mul3A_2, %add3A_457 : i32
    %dma_start3A_459 = arith.constant 7168 : i32
    %dma_start3A_460 = arith.constant 0 : i32
    %dma_start3A_461 = tpu.memref_slice %arg3[%add3A_458, %dma_start3A_459, %dma_start3A_460] : memref<64x8192x64xf32, #tpu.memory_space<hbm>> -> memref<1x512x64xf32, #tpu.memory_space<hbm>>
    %dma_start3A_462 = arith.constant 7168 : i32
    %dma_start3A_463 = arith.constant 0 : i32
    %dma_start3A_464 = tpu.memref_slice %arg3[%add3A_458, %dma_start3A_462, %dma_start3A_463] : memref<64x8192x64xf32, #tpu.memory_space<hbm>> -> memref<1x512x64xf32, #tpu.memory_space<hbm>>
    tpu.enqueue_dma source(%arg4 : memref<1x512x64xf32, #tpu.memory_space<vmem>>) target(%dma_start3A_464 : memref<1x512x64xf32, #tpu.memory_space<hbm>>) target_semaphore(%arg8 : memref<!tpu.dma_semaphore, #tpu.memory_space<semaphore_mem>>)
    %add3A_465 = arith.constant 0 : i32
    %add3A_466 = arith.addi %mul3A_2, %add3A_465 : i32
    %dma_wait3A_467 = arith.constant 6656 : i32
    %dma_wait3A_468 = arith.constant 0 : i32
    %dma_wait3A_469 = tpu.memref_slice %arg3[%add3A_466, %dma_wait3A_467, %dma_wait3A_468] : memref<64x8192x64xf32, #tpu.memory_space<hbm>> -> memref<1x512x64xf32, #tpu.memory_space<hbm>>
    %dma_wait3A_470 = arith.constant 6656 : i32
    %dma_wait3A_471 = arith.constant 0 : i32
    %dma_wait3A_472 = tpu.memref_slice %arg3[%add3A_466, %dma_wait3A_470, %dma_wait3A_471] : memref<64x8192x64xf32, #tpu.memory_space<hbm>> -> memref<1x512x64xf32, #tpu.memory_space<hbm>>
    tpu.wait_dma2 semaphore(%arg9 : memref<!tpu.dma_semaphore, #tpu.memory_space<semaphore_mem>>) src(%arg5 : memref<1x512x64xf32, #tpu.memory_space<vmem>>) dst(%dma_wait3A_472 : memref<1x512x64xf32, #tpu.memory_space<hbm>>)
    %add3A_473 = arith.constant 0 : i32
    %add3A_474 = arith.addi %mul3A_2, %add3A_473 : i32
    %dma_start3A_475 = arith.constant 7680 : i32
    %dma_start3A_476 = arith.constant 0 : i32
    %dma_start3A_477 = tpu.memref_slice %arg2[%add3A_474, %dma_start3A_475, %dma_start3A_476] : memref<64x8192x64xf32, #tpu.memory_space<hbm>> -> memref<1x512x64xf32, #tpu.memory_space<hbm>>
    %dma_start3A_478 = arith.constant 7680 : i32
    %dma_start3A_479 = arith.constant 0 : i32
    %dma_start3A_480 = tpu.memref_slice %arg2[%add3A_474, %dma_start3A_478, %dma_start3A_479] : memref<64x8192x64xf32, #tpu.memory_space<hbm>> -> memref<1x512x64xf32, #tpu.memory_space<hbm>>
    tpu.enqueue_dma source(%dma_start3A_480 : memref<1x512x64xf32, #tpu.memory_space<hbm>>) target(%arg5 : memref<1x512x64xf32, #tpu.memory_space<vmem>>) target_semaphore(%arg7 : memref<!tpu.dma_semaphore, #tpu.memory_space<semaphore_mem>>)
    %add3A_481 = arith.constant 0 : i32
    %add3A_482 = arith.addi %mul3A_2, %add3A_481 : i32
    %dma_wait3A_483 = arith.constant 7680 : i32
    %dma_wait3A_484 = arith.constant 0 : i32
    %dma_wait3A_485 = tpu.memref_slice %arg2[%add3A_482, %dma_wait3A_483, %dma_wait3A_484] : memref<64x8192x64xf32, #tpu.memory_space<hbm>> -> memref<1x512x64xf32, #tpu.memory_space<hbm>>
    %dma_wait3A_486 = arith.constant 7680 : i32
    %dma_wait3A_487 = arith.constant 0 : i32
    %dma_wait3A_488 = tpu.memref_slice %arg2[%add3A_482, %dma_wait3A_486, %dma_wait3A_487] : memref<64x8192x64xf32, #tpu.memory_space<hbm>> -> memref<1x512x64xf32, #tpu.memory_space<hbm>>
    tpu.wait_dma2 semaphore(%arg7 : memref<!tpu.dma_semaphore, #tpu.memory_space<semaphore_mem>>) src(%dma_wait3A_488 : memref<1x512x64xf32, #tpu.memory_space<hbm>>) dst(%arg5 : memref<1x512x64xf32, #tpu.memory_space<vmem>>)
    %add3A_489 = arith.constant 0 : i32
    %add3A_490 = arith.addi %mul3A_2, %add3A_489 : i32
    %dma_start3A_491 = arith.constant 7680 : i32
    %dma_start3A_492 = arith.constant 0 : i32
    %dma_start3A_493 = tpu.memref_slice %arg3[%add3A_490, %dma_start3A_491, %dma_start3A_492] : memref<64x8192x64xf32, #tpu.memory_space<hbm>> -> memref<1x512x64xf32, #tpu.memory_space<hbm>>
    %dma_start3A_494 = arith.constant 7680 : i32
    %dma_start3A_495 = arith.constant 0 : i32
    %dma_start3A_496 = tpu.memref_slice %arg3[%add3A_490, %dma_start3A_494, %dma_start3A_495] : memref<64x8192x64xf32, #tpu.memory_space<hbm>> -> memref<1x512x64xf32, #tpu.memory_space<hbm>>
    tpu.enqueue_dma source(%arg5 : memref<1x512x64xf32, #tpu.memory_space<vmem>>) target(%dma_start3A_496 : memref<1x512x64xf32, #tpu.memory_space<hbm>>) target_semaphore(%arg9 : memref<!tpu.dma_semaphore, #tpu.memory_space<semaphore_mem>>)
    %add3A_497 = arith.constant 0 : i32
    %add3A_498 = arith.addi %mul3A_2, %add3A_497 : i32
    %dma_wait3A_499 = arith.constant 7168 : i32
    %dma_wait3A_500 = arith.constant 0 : i32
    %dma_wait3A_501 = tpu.memref_slice %arg3[%add3A_498, %dma_wait3A_499, %dma_wait3A_500] : memref<64x8192x64xf32, #tpu.memory_space<hbm>> -> memref<1x512x64xf32, #tpu.memory_space<hbm>>
    %dma_wait3A_502 = arith.constant 7168 : i32
    %dma_wait3A_503 = arith.constant 0 : i32
    %dma_wait3A_504 = tpu.memref_slice %arg3[%add3A_498, %dma_wait3A_502, %dma_wait3A_503] : memref<64x8192x64xf32, #tpu.memory_space<hbm>> -> memref<1x512x64xf32, #tpu.memory_space<hbm>>
    tpu.wait_dma2 semaphore(%arg8 : memref<!tpu.dma_semaphore, #tpu.memory_space<semaphore_mem>>) src(%arg4 : memref<1x512x64xf32, #tpu.memory_space<vmem>>) dst(%dma_wait3A_504 : memref<1x512x64xf32, #tpu.memory_space<hbm>>)
    %add3A_505 = arith.constant 1 : i32
    %add3A_506 = arith.addi %mul3A_2, %add3A_505 : i32
    %dma_start3A_507 = arith.constant 0 : i32
    %dma_start3A_508 = arith.constant 0 : i32
    %dma_start3A_509 = tpu.memref_slice %arg2[%add3A_506, %dma_start3A_507, %dma_start3A_508] : memref<64x8192x64xf32, #tpu.memory_space<hbm>> -> memref<1x512x64xf32, #tpu.memory_space<hbm>>
    %dma_start3A_510 = arith.constant 0 : i32
    %dma_start3A_511 = arith.constant 0 : i32
    %dma_start3A_512 = tpu.memref_slice %arg2[%add3A_506, %dma_start3A_510, %dma_start3A_511] : memref<64x8192x64xf32, #tpu.memory_space<hbm>> -> memref<1x512x64xf32, #tpu.memory_space<hbm>>
    tpu.enqueue_dma source(%dma_start3A_512 : memref<1x512x64xf32, #tpu.memory_space<hbm>>) target(%arg4 : memref<1x512x64xf32, #tpu.memory_space<vmem>>) target_semaphore(%arg6 : memref<!tpu.dma_semaphore, #tpu.memory_space<semaphore_mem>>)
    %add3A_513 = arith.constant 1 : i32
    %add3A_514 = arith.addi %mul3A_2, %add3A_513 : i32
    %dma_wait3A_515 = arith.constant 0 : i32
    %dma_wait3A_516 = arith.constant 0 : i32
    %dma_wait3A_517 = tpu.memref_slice %arg2[%add3A_514, %dma_wait3A_515, %dma_wait3A_516] : memref<64x8192x64xf32, #tpu.memory_space<hbm>> -> memref<1x512x64xf32, #tpu.memory_space<hbm>>
    %dma_wait3A_518 = arith.constant 0 : i32
    %dma_wait3A_519 = arith.constant 0 : i32
    %dma_wait3A_520 = tpu.memref_slice %arg2[%add3A_514, %dma_wait3A_518, %dma_wait3A_519] : memref<64x8192x64xf32, #tpu.memory_space<hbm>> -> memref<1x512x64xf32, #tpu.memory_space<hbm>>
    tpu.wait_dma2 semaphore(%arg6 : memref<!tpu.dma_semaphore, #tpu.memory_space<semaphore_mem>>) src(%dma_wait3A_520 : memref<1x512x64xf32, #tpu.memory_space<hbm>>) dst(%arg4 : memref<1x512x64xf32, #tpu.memory_space<vmem>>)
    %add3A_521 = arith.constant 1 : i32
    %add3A_522 = arith.addi %mul3A_2, %add3A_521 : i32
    %dma_start3A_523 = arith.constant 0 : i32
    %dma_start3A_524 = arith.constant 0 : i32
    %dma_start3A_525 = tpu.memref_slice %arg3[%add3A_522, %dma_start3A_523, %dma_start3A_524] : memref<64x8192x64xf32, #tpu.memory_space<hbm>> -> memref<1x512x64xf32, #tpu.memory_space<hbm>>
    %dma_start3A_526 = arith.constant 0 : i32
    %dma_start3A_527 = arith.constant 0 : i32
    %dma_start3A_528 = tpu.memref_slice %arg3[%add3A_522, %dma_start3A_526, %dma_start3A_527] : memref<64x8192x64xf32, #tpu.memory_space<hbm>> -> memref<1x512x64xf32, #tpu.memory_space<hbm>>
    tpu.enqueue_dma source(%arg4 : memref<1x512x64xf32, #tpu.memory_space<vmem>>) target(%dma_start3A_528 : memref<1x512x64xf32, #tpu.memory_space<hbm>>) target_semaphore(%arg8 : memref<!tpu.dma_semaphore, #tpu.memory_space<semaphore_mem>>)
    %add3A_529 = arith.constant 0 : i32
    %add3A_530 = arith.addi %mul3A_2, %add3A_529 : i32
    %dma_wait3A_531 = arith.constant 7680 : i32
    %dma_wait3A_532 = arith.constant 0 : i32
    %dma_wait3A_533 = tpu.memref_slice %arg3[%add3A_530, %dma_wait3A_531, %dma_wait3A_532] : memref<64x8192x64xf32, #tpu.memory_space<hbm>> -> memref<1x512x64xf32, #tpu.memory_space<hbm>>
    %dma_wait3A_534 = arith.constant 7680 : i32
    %dma_wait3A_535 = arith.constant 0 : i32
    %dma_wait3A_536 = tpu.memref_slice %arg3[%add3A_530, %dma_wait3A_534, %dma_wait3A_535] : memref<64x8192x64xf32, #tpu.memory_space<hbm>> -> memref<1x512x64xf32, #tpu.memory_space<hbm>>
    tpu.wait_dma2 semaphore(%arg9 : memref<!tpu.dma_semaphore, #tpu.memory_space<semaphore_mem>>) src(%arg5 : memref<1x512x64xf32, #tpu.memory_space<vmem>>) dst(%dma_wait3A_536 : memref<1x512x64xf32, #tpu.memory_space<hbm>>)
    %add3A_537 = arith.constant 1 : i32
    %add3A_538 = arith.addi %mul3A_2, %add3A_537 : i32
    %dma_start3A_539 = arith.constant 512 : i32
    %dma_start3A_540 = arith.constant 0 : i32
    %dma_start3A_541 = tpu.memref_slice %arg2[%add3A_538, %dma_start3A_539, %dma_start3A_540] : memref<64x8192x64xf32, #tpu.memory_space<hbm>> -> memref<1x512x64xf32, #tpu.memory_space<hbm>>
    %dma_start3A_542 = arith.constant 512 : i32
    %dma_start3A_543 = arith.constant 0 : i32
    %dma_start3A_544 = tpu.memref_slice %arg2[%add3A_538, %dma_start3A_542, %dma_start3A_543] : memref<64x8192x64xf32, #tpu.memory_space<hbm>> -> memref<1x512x64xf32, #tpu.memory_space<hbm>>
    tpu.enqueue_dma source(%dma_start3A_544 : memref<1x512x64xf32, #tpu.memory_space<hbm>>) target(%arg5 : memref<1x512x64xf32, #tpu.memory_space<vmem>>) target_semaphore(%arg7 : memref<!tpu.dma_semaphore, #tpu.memory_space<semaphore_mem>>)
    %add3A_545 = arith.constant 1 : i32
    %add3A_546 = arith.addi %mul3A_2, %add3A_545 : i32
    %dma_wait3A_547 = arith.constant 512 : i32
    %dma_wait3A_548 = arith.constant 0 : i32
    %dma_wait3A_549 = tpu.memref_slice %arg2[%add3A_546, %dma_wait3A_547, %dma_wait3A_548] : memref<64x8192x64xf32, #tpu.memory_space<hbm>> -> memref<1x512x64xf32, #tpu.memory_space<hbm>>
    %dma_wait3A_550 = arith.constant 512 : i32
    %dma_wait3A_551 = arith.constant 0 : i32
    %dma_wait3A_552 = tpu.memref_slice %arg2[%add3A_546, %dma_wait3A_550, %dma_wait3A_551] : memref<64x8192x64xf32, #tpu.memory_space<hbm>> -> memref<1x512x64xf32, #tpu.memory_space<hbm>>
    tpu.wait_dma2 semaphore(%arg7 : memref<!tpu.dma_semaphore, #tpu.memory_space<semaphore_mem>>) src(%dma_wait3A_552 : memref<1x512x64xf32, #tpu.memory_space<hbm>>) dst(%arg5 : memref<1x512x64xf32, #tpu.memory_space<vmem>>)
    %add3A_553 = arith.constant 1 : i32
    %add3A_554 = arith.addi %mul3A_2, %add3A_553 : i32
    %dma_start3A_555 = arith.constant 512 : i32
    %dma_start3A_556 = arith.constant 0 : i32
    %dma_start3A_557 = tpu.memref_slice %arg3[%add3A_554, %dma_start3A_555, %dma_start3A_556] : memref<64x8192x64xf32, #tpu.memory_space<hbm>> -> memref<1x512x64xf32, #tpu.memory_space<hbm>>
    %dma_start3A_558 = arith.constant 512 : i32
    %dma_start3A_559 = arith.constant 0 : i32
    %dma_start3A_560 = tpu.memref_slice %arg3[%add3A_554, %dma_start3A_558, %dma_start3A_559] : memref<64x8192x64xf32, #tpu.memory_space<hbm>> -> memref<1x512x64xf32, #tpu.memory_space<hbm>>
    tpu.enqueue_dma source(%arg5 : memref<1x512x64xf32, #tpu.memory_space<vmem>>) target(%dma_start3A_560 : memref<1x512x64xf32, #tpu.memory_space<hbm>>) target_semaphore(%arg9 : memref<!tpu.dma_semaphore, #tpu.memory_space<semaphore_mem>>)
    %add3A_561 = arith.constant 1 : i32
    %add3A_562 = arith.addi %mul3A_2, %add3A_561 : i32
    %dma_wait3A_563 = arith.constant 0 : i32
    %dma_wait3A_564 = arith.constant 0 : i32
    %dma_wait3A_565 = tpu.memref_slice %arg3[%add3A_562, %dma_wait3A_563, %dma_wait3A_564] : memref<64x8192x64xf32, #tpu.memory_space<hbm>> -> memref<1x512x64xf32, #tpu.memory_space<hbm>>
    %dma_wait3A_566 = arith.constant 0 : i32
    %dma_wait3A_567 = arith.constant 0 : i32
    %dma_wait3A_568 = tpu.memref_slice %arg3[%add3A_562, %dma_wait3A_566, %dma_wait3A_567] : memref<64x8192x64xf32, #tpu.memory_space<hbm>> -> memref<1x512x64xf32, #tpu.memory_space<hbm>>
    tpu.wait_dma2 semaphore(%arg8 : memref<!tpu.dma_semaphore, #tpu.memory_space<semaphore_mem>>) src(%arg4 : memref<1x512x64xf32, #tpu.memory_space<vmem>>) dst(%dma_wait3A_568 : memref<1x512x64xf32, #tpu.memory_space<hbm>>)
    %add3A_569 = arith.constant 1 : i32
    %add3A_570 = arith.addi %mul3A_2, %add3A_569 : i32
    %dma_start3A_571 = arith.constant 1024 : i32
    %dma_start3A_572 = arith.constant 0 : i32
    %dma_start3A_573 = tpu.memref_slice %arg2[%add3A_570, %dma_start3A_571, %dma_start3A_572] : memref<64x8192x64xf32, #tpu.memory_space<hbm>> -> memref<1x512x64xf32, #tpu.memory_space<hbm>>
    %dma_start3A_574 = arith.constant 1024 : i32
    %dma_start3A_575 = arith.constant 0 : i32
    %dma_start3A_576 = tpu.memref_slice %arg2[%add3A_570, %dma_start3A_574, %dma_start3A_575] : memref<64x8192x64xf32, #tpu.memory_space<hbm>> -> memref<1x512x64xf32, #tpu.memory_space<hbm>>
    tpu.enqueue_dma source(%dma_start3A_576 : memref<1x512x64xf32, #tpu.memory_space<hbm>>) target(%arg4 : memref<1x512x64xf32, #tpu.memory_space<vmem>>) target_semaphore(%arg6 : memref<!tpu.dma_semaphore, #tpu.memory_space<semaphore_mem>>)
    %add3A_577 = arith.constant 1 : i32
    %add3A_578 = arith.addi %mul3A_2, %add3A_577 : i32
    %dma_wait3A_579 = arith.constant 1024 : i32
    %dma_wait3A_580 = arith.constant 0 : i32
    %dma_wait3A_581 = tpu.memref_slice %arg2[%add3A_578, %dma_wait3A_579, %dma_wait3A_580] : memref<64x8192x64xf32, #tpu.memory_space<hbm>> -> memref<1x512x64xf32, #tpu.memory_space<hbm>>
    %dma_wait3A_582 = arith.constant 1024 : i32
    %dma_wait3A_583 = arith.constant 0 : i32
    %dma_wait3A_584 = tpu.memref_slice %arg2[%add3A_578, %dma_wait3A_582, %dma_wait3A_583] : memref<64x8192x64xf32, #tpu.memory_space<hbm>> -> memref<1x512x64xf32, #tpu.memory_space<hbm>>
    tpu.wait_dma2 semaphore(%arg6 : memref<!tpu.dma_semaphore, #tpu.memory_space<semaphore_mem>>) src(%dma_wait3A_584 : memref<1x512x64xf32, #tpu.memory_space<hbm>>) dst(%arg4 : memref<1x512x64xf32, #tpu.memory_space<vmem>>)
    %add3A_585 = arith.constant 1 : i32
    %add3A_586 = arith.addi %mul3A_2, %add3A_585 : i32
    %dma_start3A_587 = arith.constant 1024 : i32
    %dma_start3A_588 = arith.constant 0 : i32
    %dma_start3A_589 = tpu.memref_slice %arg3[%add3A_586, %dma_start3A_587, %dma_start3A_588] : memref<64x8192x64xf32, #tpu.memory_space<hbm>> -> memref<1x512x64xf32, #tpu.memory_space<hbm>>
    %dma_start3A_590 = arith.constant 1024 : i32
    %dma_start3A_591 = arith.constant 0 : i32
    %dma_start3A_592 = tpu.memref_slice %arg3[%add3A_586, %dma_start3A_590, %dma_start3A_591] : memref<64x8192x64xf32, #tpu.memory_space<hbm>> -> memref<1x512x64xf32, #tpu.memory_space<hbm>>
    tpu.enqueue_dma source(%arg4 : memref<1x512x64xf32, #tpu.memory_space<vmem>>) target(%dma_start3A_592 : memref<1x512x64xf32, #tpu.memory_space<hbm>>) target_semaphore(%arg8 : memref<!tpu.dma_semaphore, #tpu.memory_space<semaphore_mem>>)
    %add3A_593 = arith.constant 1 : i32
    %add3A_594 = arith.addi %mul3A_2, %add3A_593 : i32
    %dma_wait3A_595 = arith.constant 512 : i32
    %dma_wait3A_596 = arith.constant 0 : i32
    %dma_wait3A_597 = tpu.memref_slice %arg3[%add3A_594, %dma_wait3A_595, %dma_wait3A_596] : memref<64x8192x64xf32, #tpu.memory_space<hbm>> -> memref<1x512x64xf32, #tpu.memory_space<hbm>>
    %dma_wait3A_598 = arith.constant 512 : i32
    %dma_wait3A_599 = arith.constant 0 : i32
    %dma_wait3A_600 = tpu.memref_slice %arg3[%add3A_594, %dma_wait3A_598, %dma_wait3A_599] : memref<64x8192x64xf32, #tpu.memory_space<hbm>> -> memref<1x512x64xf32, #tpu.memory_space<hbm>>
    tpu.wait_dma2 semaphore(%arg9 : memref<!tpu.dma_semaphore, #tpu.memory_space<semaphore_mem>>) src(%arg5 : memref<1x512x64xf32, #tpu.memory_space<vmem>>) dst(%dma_wait3A_600 : memref<1x512x64xf32, #tpu.memory_space<hbm>>)
    %add3A_601 = arith.constant 1 : i32
    %add3A_602 = arith.addi %mul3A_2, %add3A_601 : i32
    %dma_start3A_603 = arith.constant 1536 : i32
    %dma_start3A_604 = arith.constant 0 : i32
    %dma_start3A_605 = tpu.memref_slice %arg2[%add3A_602, %dma_start3A_603, %dma_start3A_604] : memref<64x8192x64xf32, #tpu.memory_space<hbm>> -> memref<1x512x64xf32, #tpu.memory_space<hbm>>
    %dma_start3A_606 = arith.constant 1536 : i32
    %dma_start3A_607 = arith.constant 0 : i32
    %dma_start3A_608 = tpu.memref_slice %arg2[%add3A_602, %dma_start3A_606, %dma_start3A_607] : memref<64x8192x64xf32, #tpu.memory_space<hbm>> -> memref<1x512x64xf32, #tpu.memory_space<hbm>>
    tpu.enqueue_dma source(%dma_start3A_608 : memref<1x512x64xf32, #tpu.memory_space<hbm>>) target(%arg5 : memref<1x512x64xf32, #tpu.memory_space<vmem>>) target_semaphore(%arg7 : memref<!tpu.dma_semaphore, #tpu.memory_space<semaphore_mem>>)
    %add3A_609 = arith.constant 1 : i32
    %add3A_610 = arith.addi %mul3A_2, %add3A_609 : i32
    %dma_wait3A_611 = arith.constant 1536 : i32
    %dma_wait3A_612 = arith.constant 0 : i32
    %dma_wait3A_613 = tpu.memref_slice %arg2[%add3A_610, %dma_wait3A_611, %dma_wait3A_612] : memref<64x8192x64xf32, #tpu.memory_space<hbm>> -> memref<1x512x64xf32, #tpu.memory_space<hbm>>
    %dma_wait3A_614 = arith.constant 1536 : i32
    %dma_wait3A_615 = arith.constant 0 : i32
    %dma_wait3A_616 = tpu.memref_slice %arg2[%add3A_610, %dma_wait3A_614, %dma_wait3A_615] : memref<64x8192x64xf32, #tpu.memory_space<hbm>> -> memref<1x512x64xf32, #tpu.memory_space<hbm>>
    tpu.wait_dma2 semaphore(%arg7 : memref<!tpu.dma_semaphore, #tpu.memory_space<semaphore_mem>>) src(%dma_wait3A_616 : memref<1x512x64xf32, #tpu.memory_space<hbm>>) dst(%arg5 : memref<1x512x64xf32, #tpu.memory_space<vmem>>)
    %add3A_617 = arith.constant 1 : i32
    %add3A_618 = arith.addi %mul3A_2, %add3A_617 : i32
    %dma_start3A_619 = arith.constant 1536 : i32
    %dma_start3A_620 = arith.constant 0 : i32
    %dma_start3A_621 = tpu.memref_slice %arg3[%add3A_618, %dma_start3A_619, %dma_start3A_620] : memref<64x8192x64xf32, #tpu.memory_space<hbm>> -> memref<1x512x64xf32, #tpu.memory_space<hbm>>
    %dma_start3A_622 = arith.constant 1536 : i32
    %dma_start3A_623 = arith.constant 0 : i32
    %dma_start3A_624 = tpu.memref_slice %arg3[%add3A_618, %dma_start3A_622, %dma_start3A_623] : memref<64x8192x64xf32, #tpu.memory_space<hbm>> -> memref<1x512x64xf32, #tpu.memory_space<hbm>>
    tpu.enqueue_dma source(%arg5 : memref<1x512x64xf32, #tpu.memory_space<vmem>>) target(%dma_start3A_624 : memref<1x512x64xf32, #tpu.memory_space<hbm>>) target_semaphore(%arg9 : memref<!tpu.dma_semaphore, #tpu.memory_space<semaphore_mem>>)
    %add3A_625 = arith.constant 1 : i32
    %add3A_626 = arith.addi %mul3A_2, %add3A_625 : i32
    %dma_wait3A_627 = arith.constant 1024 : i32
    %dma_wait3A_628 = arith.constant 0 : i32
    %dma_wait3A_629 = tpu.memref_slice %arg3[%add3A_626, %dma_wait3A_627, %dma_wait3A_628] : memref<64x8192x64xf32, #tpu.memory_space<hbm>> -> memref<1x512x64xf32, #tpu.memory_space<hbm>>
    %dma_wait3A_630 = arith.constant 1024 : i32
    %dma_wait3A_631 = arith.constant 0 : i32
    %dma_wait3A_632 = tpu.memref_slice %arg3[%add3A_626, %dma_wait3A_630, %dma_wait3A_631] : memref<64x8192x64xf32, #tpu.memory_space<hbm>> -> memref<1x512x64xf32, #tpu.memory_space<hbm>>
    tpu.wait_dma2 semaphore(%arg8 : memref<!tpu.dma_semaphore, #tpu.memory_space<semaphore_mem>>) src(%arg4 : memref<1x512x64xf32, #tpu.memory_space<vmem>>) dst(%dma_wait3A_632 : memref<1x512x64xf32, #tpu.memory_space<hbm>>)
    %add3A_633 = arith.constant 1 : i32
    %add3A_634 = arith.addi %mul3A_2, %add3A_633 : i32
    %dma_start3A_635 = arith.constant 2048 : i32
    %dma_start3A_636 = arith.constant 0 : i32
    %dma_start3A_637 = tpu.memref_slice %arg2[%add3A_634, %dma_start3A_635, %dma_start3A_636] : memref<64x8192x64xf32, #tpu.memory_space<hbm>> -> memref<1x512x64xf32, #tpu.memory_space<hbm>>
    %dma_start3A_638 = arith.constant 2048 : i32
    %dma_start3A_639 = arith.constant 0 : i32
    %dma_start3A_640 = tpu.memref_slice %arg2[%add3A_634, %dma_start3A_638, %dma_start3A_639] : memref<64x8192x64xf32, #tpu.memory_space<hbm>> -> memref<1x512x64xf32, #tpu.memory_space<hbm>>
    tpu.enqueue_dma source(%dma_start3A_640 : memref<1x512x64xf32, #tpu.memory_space<hbm>>) target(%arg4 : memref<1x512x64xf32, #tpu.memory_space<vmem>>) target_semaphore(%arg6 : memref<!tpu.dma_semaphore, #tpu.memory_space<semaphore_mem>>)
    %add3A_641 = arith.constant 1 : i32
    %add3A_642 = arith.addi %mul3A_2, %add3A_641 : i32
    %dma_wait3A_643 = arith.constant 2048 : i32
    %dma_wait3A_644 = arith.constant 0 : i32
    %dma_wait3A_645 = tpu.memref_slice %arg2[%add3A_642, %dma_wait3A_643, %dma_wait3A_644] : memref<64x8192x64xf32, #tpu.memory_space<hbm>> -> memref<1x512x64xf32, #tpu.memory_space<hbm>>
    %dma_wait3A_646 = arith.constant 2048 : i32
    %dma_wait3A_647 = arith.constant 0 : i32
    %dma_wait3A_648 = tpu.memref_slice %arg2[%add3A_642, %dma_wait3A_646, %dma_wait3A_647] : memref<64x8192x64xf32, #tpu.memory_space<hbm>> -> memref<1x512x64xf32, #tpu.memory_space<hbm>>
    tpu.wait_dma2 semaphore(%arg6 : memref<!tpu.dma_semaphore, #tpu.memory_space<semaphore_mem>>) src(%dma_wait3A_648 : memref<1x512x64xf32, #tpu.memory_space<hbm>>) dst(%arg4 : memref<1x512x64xf32, #tpu.memory_space<vmem>>)
    %add3A_649 = arith.constant 1 : i32
    %add3A_650 = arith.addi %mul3A_2, %add3A_649 : i32
    %dma_start3A_651 = arith.constant 2048 : i32
    %dma_start3A_652 = arith.constant 0 : i32
    %dma_start3A_653 = tpu.memref_slice %arg3[%add3A_650, %dma_start3A_651, %dma_start3A_652] : memref<64x8192x64xf32, #tpu.memory_space<hbm>> -> memref<1x512x64xf32, #tpu.memory_space<hbm>>
    %dma_start3A_654 = arith.constant 2048 : i32
    %dma_start3A_655 = arith.constant 0 : i32
    %dma_start3A_656 = tpu.memref_slice %arg3[%add3A_650, %dma_start3A_654, %dma_start3A_655] : memref<64x8192x64xf32, #tpu.memory_space<hbm>> -> memref<1x512x64xf32, #tpu.memory_space<hbm>>
    tpu.enqueue_dma source(%arg4 : memref<1x512x64xf32, #tpu.memory_space<vmem>>) target(%dma_start3A_656 : memref<1x512x64xf32, #tpu.memory_space<hbm>>) target_semaphore(%arg8 : memref<!tpu.dma_semaphore, #tpu.memory_space<semaphore_mem>>)
    %add3A_657 = arith.constant 1 : i32
    %add3A_658 = arith.addi %mul3A_2, %add3A_657 : i32
    %dma_wait3A_659 = arith.constant 1536 : i32
    %dma_wait3A_660 = arith.constant 0 : i32
    %dma_wait3A_661 = tpu.memref_slice %arg3[%add3A_658, %dma_wait3A_659, %dma_wait3A_660] : memref<64x8192x64xf32, #tpu.memory_space<hbm>> -> memref<1x512x64xf32, #tpu.memory_space<hbm>>
    %dma_wait3A_662 = arith.constant 1536 : i32
    %dma_wait3A_663 = arith.constant 0 : i32
    %dma_wait3A_664 = tpu.memref_slice %arg3[%add3A_658, %dma_wait3A_662, %dma_wait3A_663] : memref<64x8192x64xf32, #tpu.memory_space<hbm>> -> memref<1x512x64xf32, #tpu.memory_space<hbm>>
    tpu.wait_dma2 semaphore(%arg9 : memref<!tpu.dma_semaphore, #tpu.memory_space<semaphore_mem>>) src(%arg5 : memref<1x512x64xf32, #tpu.memory_space<vmem>>) dst(%dma_wait3A_664 : memref<1x512x64xf32, #tpu.memory_space<hbm>>)
    %add3A_665 = arith.constant 1 : i32
    %add3A_666 = arith.addi %mul3A_2, %add3A_665 : i32
    %dma_start3A_667 = arith.constant 2560 : i32
    %dma_start3A_668 = arith.constant 0 : i32
    %dma_start3A_669 = tpu.memref_slice %arg2[%add3A_666, %dma_start3A_667, %dma_start3A_668] : memref<64x8192x64xf32, #tpu.memory_space<hbm>> -> memref<1x512x64xf32, #tpu.memory_space<hbm>>
    %dma_start3A_670 = arith.constant 2560 : i32
    %dma_start3A_671 = arith.constant 0 : i32
    %dma_start3A_672 = tpu.memref_slice %arg2[%add3A_666, %dma_start3A_670, %dma_start3A_671] : memref<64x8192x64xf32, #tpu.memory_space<hbm>> -> memref<1x512x64xf32, #tpu.memory_space<hbm>>
    tpu.enqueue_dma source(%dma_start3A_672 : memref<1x512x64xf32, #tpu.memory_space<hbm>>) target(%arg5 : memref<1x512x64xf32, #tpu.memory_space<vmem>>) target_semaphore(%arg7 : memref<!tpu.dma_semaphore, #tpu.memory_space<semaphore_mem>>)
    %add3A_673 = arith.constant 1 : i32
    %add3A_674 = arith.addi %mul3A_2, %add3A_673 : i32
    %dma_wait3A_675 = arith.constant 2560 : i32
    %dma_wait3A_676 = arith.constant 0 : i32
    %dma_wait3A_677 = tpu.memref_slice %arg2[%add3A_674, %dma_wait3A_675, %dma_wait3A_676] : memref<64x8192x64xf32, #tpu.memory_space<hbm>> -> memref<1x512x64xf32, #tpu.memory_space<hbm>>
    %dma_wait3A_678 = arith.constant 2560 : i32
    %dma_wait3A_679 = arith.constant 0 : i32
    %dma_wait3A_680 = tpu.memref_slice %arg2[%add3A_674, %dma_wait3A_678, %dma_wait3A_679] : memref<64x8192x64xf32, #tpu.memory_space<hbm>> -> memref<1x512x64xf32, #tpu.memory_space<hbm>>
    tpu.wait_dma2 semaphore(%arg7 : memref<!tpu.dma_semaphore, #tpu.memory_space<semaphore_mem>>) src(%dma_wait3A_680 : memref<1x512x64xf32, #tpu.memory_space<hbm>>) dst(%arg5 : memref<1x512x64xf32, #tpu.memory_space<vmem>>)
    %add3A_681 = arith.constant 1 : i32
    %add3A_682 = arith.addi %mul3A_2, %add3A_681 : i32
    %dma_start3A_683 = arith.constant 2560 : i32
    %dma_start3A_684 = arith.constant 0 : i32
    %dma_start3A_685 = tpu.memref_slice %arg3[%add3A_682, %dma_start3A_683, %dma_start3A_684] : memref<64x8192x64xf32, #tpu.memory_space<hbm>> -> memref<1x512x64xf32, #tpu.memory_space<hbm>>
    %dma_start3A_686 = arith.constant 2560 : i32
    %dma_start3A_687 = arith.constant 0 : i32
    %dma_start3A_688 = tpu.memref_slice %arg3[%add3A_682, %dma_start3A_686, %dma_start3A_687] : memref<64x8192x64xf32, #tpu.memory_space<hbm>> -> memref<1x512x64xf32, #tpu.memory_space<hbm>>
    tpu.enqueue_dma source(%arg5 : memref<1x512x64xf32, #tpu.memory_space<vmem>>) target(%dma_start3A_688 : memref<1x512x64xf32, #tpu.memory_space<hbm>>) target_semaphore(%arg9 : memref<!tpu.dma_semaphore, #tpu.memory_space<semaphore_mem>>)
    %add3A_689 = arith.constant 1 : i32
    %add3A_690 = arith.addi %mul3A_2, %add3A_689 : i32
    %dma_wait3A_691 = arith.constant 2048 : i32
    %dma_wait3A_692 = arith.constant 0 : i32
    %dma_wait3A_693 = tpu.memref_slice %arg3[%add3A_690, %dma_wait3A_691, %dma_wait3A_692] : memref<64x8192x64xf32, #tpu.memory_space<hbm>> -> memref<1x512x64xf32, #tpu.memory_space<hbm>>
    %dma_wait3A_694 = arith.constant 2048 : i32
    %dma_wait3A_695 = arith.constant 0 : i32
    %dma_wait3A_696 = tpu.memref_slice %arg3[%add3A_690, %dma_wait3A_694, %dma_wait3A_695] : memref<64x8192x64xf32, #tpu.memory_space<hbm>> -> memref<1x512x64xf32, #tpu.memory_space<hbm>>
    tpu.wait_dma2 semaphore(%arg8 : memref<!tpu.dma_semaphore, #tpu.memory_space<semaphore_mem>>) src(%arg4 : memref<1x512x64xf32, #tpu.memory_space<vmem>>) dst(%dma_wait3A_696 : memref<1x512x64xf32, #tpu.memory_space<hbm>>)
    %add3A_697 = arith.constant 1 : i32
    %add3A_698 = arith.addi %mul3A_2, %add3A_697 : i32
    %dma_start3A_699 = arith.constant 3072 : i32
    %dma_start3A_700 = arith.constant 0 : i32
    %dma_start3A_701 = tpu.memref_slice %arg2[%add3A_698, %dma_start3A_699, %dma_start3A_700] : memref<64x8192x64xf32, #tpu.memory_space<hbm>> -> memref<1x512x64xf32, #tpu.memory_space<hbm>>
    %dma_start3A_702 = arith.constant 3072 : i32
    %dma_start3A_703 = arith.constant 0 : i32
    %dma_start3A_704 = tpu.memref_slice %arg2[%add3A_698, %dma_start3A_702, %dma_start3A_703] : memref<64x8192x64xf32, #tpu.memory_space<hbm>> -> memref<1x512x64xf32, #tpu.memory_space<hbm>>
    tpu.enqueue_dma source(%dma_start3A_704 : memref<1x512x64xf32, #tpu.memory_space<hbm>>) target(%arg4 : memref<1x512x64xf32, #tpu.memory_space<vmem>>) target_semaphore(%arg6 : memref<!tpu.dma_semaphore, #tpu.memory_space<semaphore_mem>>)
    %add3A_705 = arith.constant 1 : i32
    %add3A_706 = arith.addi %mul3A_2, %add3A_705 : i32
    %dma_wait3A_707 = arith.constant 3072 : i32
    %dma_wait3A_708 = arith.constant 0 : i32
    %dma_wait3A_709 = tpu.memref_slice %arg2[%add3A_706, %dma_wait3A_707, %dma_wait3A_708] : memref<64x8192x64xf32, #tpu.memory_space<hbm>> -> memref<1x512x64xf32, #tpu.memory_space<hbm>>
    %dma_wait3A_710 = arith.constant 3072 : i32
    %dma_wait3A_711 = arith.constant 0 : i32
    %dma_wait3A_712 = tpu.memref_slice %arg2[%add3A_706, %dma_wait3A_710, %dma_wait3A_711] : memref<64x8192x64xf32, #tpu.memory_space<hbm>> -> memref<1x512x64xf32, #tpu.memory_space<hbm>>
    tpu.wait_dma2 semaphore(%arg6 : memref<!tpu.dma_semaphore, #tpu.memory_space<semaphore_mem>>) src(%dma_wait3A_712 : memref<1x512x64xf32, #tpu.memory_space<hbm>>) dst(%arg4 : memref<1x512x64xf32, #tpu.memory_space<vmem>>)
    %add3A_713 = arith.constant 1 : i32
    %add3A_714 = arith.addi %mul3A_2, %add3A_713 : i32
    %dma_start3A_715 = arith.constant 3072 : i32
    %dma_start3A_716 = arith.constant 0 : i32
    %dma_start3A_717 = tpu.memref_slice %arg3[%add3A_714, %dma_start3A_715, %dma_start3A_716] : memref<64x8192x64xf32, #tpu.memory_space<hbm>> -> memref<1x512x64xf32, #tpu.memory_space<hbm>>
    %dma_start3A_718 = arith.constant 3072 : i32
    %dma_start3A_719 = arith.constant 0 : i32
    %dma_start3A_720 = tpu.memref_slice %arg3[%add3A_714, %dma_start3A_718, %dma_start3A_719] : memref<64x8192x64xf32, #tpu.memory_space<hbm>> -> memref<1x512x64xf32, #tpu.memory_space<hbm>>
    tpu.enqueue_dma source(%arg4 : memref<1x512x64xf32, #tpu.memory_space<vmem>>) target(%dma_start3A_720 : memref<1x512x64xf32, #tpu.memory_space<hbm>>) target_semaphore(%arg8 : memref<!tpu.dma_semaphore, #tpu.memory_space<semaphore_mem>>)
    %add3A_721 = arith.constant 1 : i32
    %add3A_722 = arith.addi %mul3A_2, %add3A_721 : i32
    %dma_wait3A_723 = arith.constant 2560 : i32
    %dma_wait3A_724 = arith.constant 0 : i32
    %dma_wait3A_725 = tpu.memref_slice %arg3[%add3A_722, %dma_wait3A_723, %dma_wait3A_724] : memref<64x8192x64xf32, #tpu.memory_space<hbm>> -> memref<1x512x64xf32, #tpu.memory_space<hbm>>
    %dma_wait3A_726 = arith.constant 2560 : i32
    %dma_wait3A_727 = arith.constant 0 : i32
    %dma_wait3A_728 = tpu.memref_slice %arg3[%add3A_722, %dma_wait3A_726, %dma_wait3A_727] : memref<64x8192x64xf32, #tpu.memory_space<hbm>> -> memref<1x512x64xf32, #tpu.memory_space<hbm>>
    tpu.wait_dma2 semaphore(%arg9 : memref<!tpu.dma_semaphore, #tpu.memory_space<semaphore_mem>>) src(%arg5 : memref<1x512x64xf32, #tpu.memory_space<vmem>>) dst(%dma_wait3A_728 : memref<1x512x64xf32, #tpu.memory_space<hbm>>)
    %add3A_729 = arith.constant 1 : i32
    %add3A_730 = arith.addi %mul3A_2, %add3A_729 : i32
    %dma_start3A_731 = arith.constant 3584 : i32
    %dma_start3A_732 = arith.constant 0 : i32
    %dma_start3A_733 = tpu.memref_slice %arg2[%add3A_730, %dma_start3A_731, %dma_start3A_732] : memref<64x8192x64xf32, #tpu.memory_space<hbm>> -> memref<1x512x64xf32, #tpu.memory_space<hbm>>
    %dma_start3A_734 = arith.constant 3584 : i32
    %dma_start3A_735 = arith.constant 0 : i32
    %dma_start3A_736 = tpu.memref_slice %arg2[%add3A_730, %dma_start3A_734, %dma_start3A_735] : memref<64x8192x64xf32, #tpu.memory_space<hbm>> -> memref<1x512x64xf32, #tpu.memory_space<hbm>>
    tpu.enqueue_dma source(%dma_start3A_736 : memref<1x512x64xf32, #tpu.memory_space<hbm>>) target(%arg5 : memref<1x512x64xf32, #tpu.memory_space<vmem>>) target_semaphore(%arg7 : memref<!tpu.dma_semaphore, #tpu.memory_space<semaphore_mem>>)
    %add3A_737 = arith.constant 1 : i32
    %add3A_738 = arith.addi %mul3A_2, %add3A_737 : i32
    %dma_wait3A_739 = arith.constant 3584 : i32
    %dma_wait3A_740 = arith.constant 0 : i32
    %dma_wait3A_741 = tpu.memref_slice %arg2[%add3A_738, %dma_wait3A_739, %dma_wait3A_740] : memref<64x8192x64xf32, #tpu.memory_space<hbm>> -> memref<1x512x64xf32, #tpu.memory_space<hbm>>
    %dma_wait3A_742 = arith.constant 3584 : i32
    %dma_wait3A_743 = arith.constant 0 : i32
    %dma_wait3A_744 = tpu.memref_slice %arg2[%add3A_738, %dma_wait3A_742, %dma_wait3A_743] : memref<64x8192x64xf32, #tpu.memory_space<hbm>> -> memref<1x512x64xf32, #tpu.memory_space<hbm>>
    tpu.wait_dma2 semaphore(%arg7 : memref<!tpu.dma_semaphore, #tpu.memory_space<semaphore_mem>>) src(%dma_wait3A_744 : memref<1x512x64xf32, #tpu.memory_space<hbm>>) dst(%arg5 : memref<1x512x64xf32, #tpu.memory_space<vmem>>)
    %add3A_745 = arith.constant 1 : i32
    %add3A_746 = arith.addi %mul3A_2, %add3A_745 : i32
    %dma_start3A_747 = arith.constant 3584 : i32
    %dma_start3A_748 = arith.constant 0 : i32
    %dma_start3A_749 = tpu.memref_slice %arg3[%add3A_746, %dma_start3A_747, %dma_start3A_748] : memref<64x8192x64xf32, #tpu.memory_space<hbm>> -> memref<1x512x64xf32, #tpu.memory_space<hbm>>
    %dma_start3A_750 = arith.constant 3584 : i32
    %dma_start3A_751 = arith.constant 0 : i32
    %dma_start3A_752 = tpu.memref_slice %arg3[%add3A_746, %dma_start3A_750, %dma_start3A_751] : memref<64x8192x64xf32, #tpu.memory_space<hbm>> -> memref<1x512x64xf32, #tpu.memory_space<hbm>>
    tpu.enqueue_dma source(%arg5 : memref<1x512x64xf32, #tpu.memory_space<vmem>>) target(%dma_start3A_752 : memref<1x512x64xf32, #tpu.memory_space<hbm>>) target_semaphore(%arg9 : memref<!tpu.dma_semaphore, #tpu.memory_space<semaphore_mem>>)
    %add3A_753 = arith.constant 1 : i32
    %add3A_754 = arith.addi %mul3A_2, %add3A_753 : i32
    %dma_wait3A_755 = arith.constant 3072 : i32
    %dma_wait3A_756 = arith.constant 0 : i32
    %dma_wait3A_757 = tpu.memref_slice %arg3[%add3A_754, %dma_wait3A_755, %dma_wait3A_756] : memref<64x8192x64xf32, #tpu.memory_space<hbm>> -> memref<1x512x64xf32, #tpu.memory_space<hbm>>
    %dma_wait3A_758 = arith.constant 3072 : i32
    %dma_wait3A_759 = arith.constant 0 : i32
    %dma_wait3A_760 = tpu.memref_slice %arg3[%add3A_754, %dma_wait3A_758, %dma_wait3A_759] : memref<64x8192x64xf32, #tpu.memory_space<hbm>> -> memref<1x512x64xf32, #tpu.memory_space<hbm>>
    tpu.wait_dma2 semaphore(%arg8 : memref<!tpu.dma_semaphore, #tpu.memory_space<semaphore_mem>>) src(%arg4 : memref<1x512x64xf32, #tpu.memory_space<vmem>>) dst(%dma_wait3A_760 : memref<1x512x64xf32, #tpu.memory_space<hbm>>)
    %add3A_761 = arith.constant 1 : i32
    %add3A_762 = arith.addi %mul3A_2, %add3A_761 : i32
    %dma_start3A_763 = arith.constant 4096 : i32
    %dma_start3A_764 = arith.constant 0 : i32
    %dma_start3A_765 = tpu.memref_slice %arg2[%add3A_762, %dma_start3A_763, %dma_start3A_764] : memref<64x8192x64xf32, #tpu.memory_space<hbm>> -> memref<1x512x64xf32, #tpu.memory_space<hbm>>
    %dma_start3A_766 = arith.constant 4096 : i32
    %dma_start3A_767 = arith.constant 0 : i32
    %dma_start3A_768 = tpu.memref_slice %arg2[%add3A_762, %dma_start3A_766, %dma_start3A_767] : memref<64x8192x64xf32, #tpu.memory_space<hbm>> -> memref<1x512x64xf32, #tpu.memory_space<hbm>>
    tpu.enqueue_dma source(%dma_start3A_768 : memref<1x512x64xf32, #tpu.memory_space<hbm>>) target(%arg4 : memref<1x512x64xf32, #tpu.memory_space<vmem>>) target_semaphore(%arg6 : memref<!tpu.dma_semaphore, #tpu.memory_space<semaphore_mem>>)
    %add3A_769 = arith.constant 1 : i32
    %add3A_770 = arith.addi %mul3A_2, %add3A_769 : i32
    %dma_wait3A_771 = arith.constant 4096 : i32
    %dma_wait3A_772 = arith.constant 0 : i32
    %dma_wait3A_773 = tpu.memref_slice %arg2[%add3A_770, %dma_wait3A_771, %dma_wait3A_772] : memref<64x8192x64xf32, #tpu.memory_space<hbm>> -> memref<1x512x64xf32, #tpu.memory_space<hbm>>
    %dma_wait3A_774 = arith.constant 4096 : i32
    %dma_wait3A_775 = arith.constant 0 : i32
    %dma_wait3A_776 = tpu.memref_slice %arg2[%add3A_770, %dma_wait3A_774, %dma_wait3A_775] : memref<64x8192x64xf32, #tpu.memory_space<hbm>> -> memref<1x512x64xf32, #tpu.memory_space<hbm>>
    tpu.wait_dma2 semaphore(%arg6 : memref<!tpu.dma_semaphore, #tpu.memory_space<semaphore_mem>>) src(%dma_wait3A_776 : memref<1x512x64xf32, #tpu.memory_space<hbm>>) dst(%arg4 : memref<1x512x64xf32, #tpu.memory_space<vmem>>)
    %add3A_777 = arith.constant 1 : i32
    %add3A_778 = arith.addi %mul3A_2, %add3A_777 : i32
    %dma_start3A_779 = arith.constant 4096 : i32
    %dma_start3A_780 = arith.constant 0 : i32
    %dma_start3A_781 = tpu.memref_slice %arg3[%add3A_778, %dma_start3A_779, %dma_start3A_780] : memref<64x8192x64xf32, #tpu.memory_space<hbm>> -> memref<1x512x64xf32, #tpu.memory_space<hbm>>
    %dma_start3A_782 = arith.constant 4096 : i32
    %dma_start3A_783 = arith.constant 0 : i32
    %dma_start3A_784 = tpu.memref_slice %arg3[%add3A_778, %dma_start3A_782, %dma_start3A_783] : memref<64x8192x64xf32, #tpu.memory_space<hbm>> -> memref<1x512x64xf32, #tpu.memory_space<hbm>>
    tpu.enqueue_dma source(%arg4 : memref<1x512x64xf32, #tpu.memory_space<vmem>>) target(%dma_start3A_784 : memref<1x512x64xf32, #tpu.memory_space<hbm>>) target_semaphore(%arg8 : memref<!tpu.dma_semaphore, #tpu.memory_space<semaphore_mem>>)
    %add3A_785 = arith.constant 1 : i32
    %add3A_786 = arith.addi %mul3A_2, %add3A_785 : i32
    %dma_wait3A_787 = arith.constant 3584 : i32
    %dma_wait3A_788 = arith.constant 0 : i32
    %dma_wait3A_789 = tpu.memref_slice %arg3[%add3A_786, %dma_wait3A_787, %dma_wait3A_788] : memref<64x8192x64xf32, #tpu.memory_space<hbm>> -> memref<1x512x64xf32, #tpu.memory_space<hbm>>
    %dma_wait3A_790 = arith.constant 3584 : i32
    %dma_wait3A_791 = arith.constant 0 : i32
    %dma_wait3A_792 = tpu.memref_slice %arg3[%add3A_786, %dma_wait3A_790, %dma_wait3A_791] : memref<64x8192x64xf32, #tpu.memory_space<hbm>> -> memref<1x512x64xf32, #tpu.memory_space<hbm>>
    tpu.wait_dma2 semaphore(%arg9 : memref<!tpu.dma_semaphore, #tpu.memory_space<semaphore_mem>>) src(%arg5 : memref<1x512x64xf32, #tpu.memory_space<vmem>>) dst(%dma_wait3A_792 : memref<1x512x64xf32, #tpu.memory_space<hbm>>)
    %add3A_793 = arith.constant 1 : i32
    %add3A_794 = arith.addi %mul3A_2, %add3A_793 : i32
    %dma_start3A_795 = arith.constant 4608 : i32
    %dma_start3A_796 = arith.constant 0 : i32
    %dma_start3A_797 = tpu.memref_slice %arg2[%add3A_794, %dma_start3A_795, %dma_start3A_796] : memref<64x8192x64xf32, #tpu.memory_space<hbm>> -> memref<1x512x64xf32, #tpu.memory_space<hbm>>
    %dma_start3A_798 = arith.constant 4608 : i32
    %dma_start3A_799 = arith.constant 0 : i32
    %dma_start3A_800 = tpu.memref_slice %arg2[%add3A_794, %dma_start3A_798, %dma_start3A_799] : memref<64x8192x64xf32, #tpu.memory_space<hbm>> -> memref<1x512x64xf32, #tpu.memory_space<hbm>>
    tpu.enqueue_dma source(%dma_start3A_800 : memref<1x512x64xf32, #tpu.memory_space<hbm>>) target(%arg5 : memref<1x512x64xf32, #tpu.memory_space<vmem>>) target_semaphore(%arg7 : memref<!tpu.dma_semaphore, #tpu.memory_space<semaphore_mem>>)
    %add3A_801 = arith.constant 1 : i32
    %add3A_802 = arith.addi %mul3A_2, %add3A_801 : i32
    %dma_wait3A_803 = arith.constant 4608 : i32
    %dma_wait3A_804 = arith.constant 0 : i32
    %dma_wait3A_805 = tpu.memref_slice %arg2[%add3A_802, %dma_wait3A_803, %dma_wait3A_804] : memref<64x8192x64xf32, #tpu.memory_space<hbm>> -> memref<1x512x64xf32, #tpu.memory_space<hbm>>
    %dma_wait3A_806 = arith.constant 4608 : i32
    %dma_wait3A_807 = arith.constant 0 : i32
    %dma_wait3A_808 = tpu.memref_slice %arg2[%add3A_802, %dma_wait3A_806, %dma_wait3A_807] : memref<64x8192x64xf32, #tpu.memory_space<hbm>> -> memref<1x512x64xf32, #tpu.memory_space<hbm>>
    tpu.wait_dma2 semaphore(%arg7 : memref<!tpu.dma_semaphore, #tpu.memory_space<semaphore_mem>>) src(%dma_wait3A_808 : memref<1x512x64xf32, #tpu.memory_space<hbm>>) dst(%arg5 : memref<1x512x64xf32, #tpu.memory_space<vmem>>)
    %add3A_809 = arith.constant 1 : i32
    %add3A_810 = arith.addi %mul3A_2, %add3A_809 : i32
    %dma_start3A_811 = arith.constant 4608 : i32
    %dma_start3A_812 = arith.constant 0 : i32
    %dma_start3A_813 = tpu.memref_slice %arg3[%add3A_810, %dma_start3A_811, %dma_start3A_812] : memref<64x8192x64xf32, #tpu.memory_space<hbm>> -> memref<1x512x64xf32, #tpu.memory_space<hbm>>
    %dma_start3A_814 = arith.constant 4608 : i32
    %dma_start3A_815 = arith.constant 0 : i32
    %dma_start3A_816 = tpu.memref_slice %arg3[%add3A_810, %dma_start3A_814, %dma_start3A_815] : memref<64x8192x64xf32, #tpu.memory_space<hbm>> -> memref<1x512x64xf32, #tpu.memory_space<hbm>>
    tpu.enqueue_dma source(%arg5 : memref<1x512x64xf32, #tpu.memory_space<vmem>>) target(%dma_start3A_816 : memref<1x512x64xf32, #tpu.memory_space<hbm>>) target_semaphore(%arg9 : memref<!tpu.dma_semaphore, #tpu.memory_space<semaphore_mem>>)
    %add3A_817 = arith.constant 1 : i32
    %add3A_818 = arith.addi %mul3A_2, %add3A_817 : i32
    %dma_wait3A_819 = arith.constant 4096 : i32
    %dma_wait3A_820 = arith.constant 0 : i32
    %dma_wait3A_821 = tpu.memref_slice %arg3[%add3A_818, %dma_wait3A_819, %dma_wait3A_820] : memref<64x8192x64xf32, #tpu.memory_space<hbm>> -> memref<1x512x64xf32, #tpu.memory_space<hbm>>
    %dma_wait3A_822 = arith.constant 4096 : i32
    %dma_wait3A_823 = arith.constant 0 : i32
    %dma_wait3A_824 = tpu.memref_slice %arg3[%add3A_818, %dma_wait3A_822, %dma_wait3A_823] : memref<64x8192x64xf32, #tpu.memory_space<hbm>> -> memref<1x512x64xf32, #tpu.memory_space<hbm>>
    tpu.wait_dma2 semaphore(%arg8 : memref<!tpu.dma_semaphore, #tpu.memory_space<semaphore_mem>>) src(%arg4 : memref<1x512x64xf32, #tpu.memory_space<vmem>>) dst(%dma_wait3A_824 : memref<1x512x64xf32, #tpu.memory_space<hbm>>)
    %add3A_825 = arith.constant 1 : i32
    %add3A_826 = arith.addi %mul3A_2, %add3A_825 : i32
    %dma_start3A_827 = arith.constant 5120 : i32
    %dma_start3A_828 = arith.constant 0 : i32
    %dma_start3A_829 = tpu.memref_slice %arg2[%add3A_826, %dma_start3A_827, %dma_start3A_828] : memref<64x8192x64xf32, #tpu.memory_space<hbm>> -> memref<1x512x64xf32, #tpu.memory_space<hbm>>
    %dma_start3A_830 = arith.constant 5120 : i32
    %dma_start3A_831 = arith.constant 0 : i32
    %dma_start3A_832 = tpu.memref_slice %arg2[%add3A_826, %dma_start3A_830, %dma_start3A_831] : memref<64x8192x64xf32, #tpu.memory_space<hbm>> -> memref<1x512x64xf32, #tpu.memory_space<hbm>>
    tpu.enqueue_dma source(%dma_start3A_832 : memref<1x512x64xf32, #tpu.memory_space<hbm>>) target(%arg4 : memref<1x512x64xf32, #tpu.memory_space<vmem>>) target_semaphore(%arg6 : memref<!tpu.dma_semaphore, #tpu.memory_space<semaphore_mem>>)
    %add3A_833 = arith.constant 1 : i32
    %add3A_834 = arith.addi %mul3A_2, %add3A_833 : i32
    %dma_wait3A_835 = arith.constant 5120 : i32
    %dma_wait3A_836 = arith.constant 0 : i32
    %dma_wait3A_837 = tpu.memref_slice %arg2[%add3A_834, %dma_wait3A_835, %dma_wait3A_836] : memref<64x8192x64xf32, #tpu.memory_space<hbm>> -> memref<1x512x64xf32, #tpu.memory_space<hbm>>
    %dma_wait3A_838 = arith.constant 5120 : i32
    %dma_wait3A_839 = arith.constant 0 : i32
    %dma_wait3A_840 = tpu.memref_slice %arg2[%add3A_834, %dma_wait3A_838, %dma_wait3A_839] : memref<64x8192x64xf32, #tpu.memory_space<hbm>> -> memref<1x512x64xf32, #tpu.memory_space<hbm>>
    tpu.wait_dma2 semaphore(%arg6 : memref<!tpu.dma_semaphore, #tpu.memory_space<semaphore_mem>>) src(%dma_wait3A_840 : memref<1x512x64xf32, #tpu.memory_space<hbm>>) dst(%arg4 : memref<1x512x64xf32, #tpu.memory_space<vmem>>)
    %add3A_841 = arith.constant 1 : i32
    %add3A_842 = arith.addi %mul3A_2, %add3A_841 : i32
    %dma_start3A_843 = arith.constant 5120 : i32
    %dma_start3A_844 = arith.constant 0 : i32
    %dma_start3A_845 = tpu.memref_slice %arg3[%add3A_842, %dma_start3A_843, %dma_start3A_844] : memref<64x8192x64xf32, #tpu.memory_space<hbm>> -> memref<1x512x64xf32, #tpu.memory_space<hbm>>
    %dma_start3A_846 = arith.constant 5120 : i32
    %dma_start3A_847 = arith.constant 0 : i32
    %dma_start3A_848 = tpu.memref_slice %arg3[%add3A_842, %dma_start3A_846, %dma_start3A_847] : memref<64x8192x64xf32, #tpu.memory_space<hbm>> -> memref<1x512x64xf32, #tpu.memory_space<hbm>>
    tpu.enqueue_dma source(%arg4 : memref<1x512x64xf32, #tpu.memory_space<vmem>>) target(%dma_start3A_848 : memref<1x512x64xf32, #tpu.memory_space<hbm>>) target_semaphore(%arg8 : memref<!tpu.dma_semaphore, #tpu.memory_space<semaphore_mem>>)
    %add3A_849 = arith.constant 1 : i32
    %add3A_850 = arith.addi %mul3A_2, %add3A_849 : i32
    %dma_wait3A_851 = arith.constant 4608 : i32
    %dma_wait3A_852 = arith.constant 0 : i32
    %dma_wait3A_853 = tpu.memref_slice %arg3[%add3A_850, %dma_wait3A_851, %dma_wait3A_852] : memref<64x8192x64xf32, #tpu.memory_space<hbm>> -> memref<1x512x64xf32, #tpu.memory_space<hbm>>
    %dma_wait3A_854 = arith.constant 4608 : i32
    %dma_wait3A_855 = arith.constant 0 : i32
    %dma_wait3A_856 = tpu.memref_slice %arg3[%add3A_850, %dma_wait3A_854, %dma_wait3A_855] : memref<64x8192x64xf32, #tpu.memory_space<hbm>> -> memref<1x512x64xf32, #tpu.memory_space<hbm>>
    tpu.wait_dma2 semaphore(%arg9 : memref<!tpu.dma_semaphore, #tpu.memory_space<semaphore_mem>>) src(%arg5 : memref<1x512x64xf32, #tpu.memory_space<vmem>>) dst(%dma_wait3A_856 : memref<1x512x64xf32, #tpu.memory_space<hbm>>)
    %add3A_857 = arith.constant 1 : i32
    %add3A_858 = arith.addi %mul3A_2, %add3A_857 : i32
    %dma_start3A_859 = arith.constant 5632 : i32
    %dma_start3A_860 = arith.constant 0 : i32
    %dma_start3A_861 = tpu.memref_slice %arg2[%add3A_858, %dma_start3A_859, %dma_start3A_860] : memref<64x8192x64xf32, #tpu.memory_space<hbm>> -> memref<1x512x64xf32, #tpu.memory_space<hbm>>
    %dma_start3A_862 = arith.constant 5632 : i32
    %dma_start3A_863 = arith.constant 0 : i32
    %dma_start3A_864 = tpu.memref_slice %arg2[%add3A_858, %dma_start3A_862, %dma_start3A_863] : memref<64x8192x64xf32, #tpu.memory_space<hbm>> -> memref<1x512x64xf32, #tpu.memory_space<hbm>>
    tpu.enqueue_dma source(%dma_start3A_864 : memref<1x512x64xf32, #tpu.memory_space<hbm>>) target(%arg5 : memref<1x512x64xf32, #tpu.memory_space<vmem>>) target_semaphore(%arg7 : memref<!tpu.dma_semaphore, #tpu.memory_space<semaphore_mem>>)
    %add3A_865 = arith.constant 1 : i32
    %add3A_866 = arith.addi %mul3A_2, %add3A_865 : i32
    %dma_wait3A_867 = arith.constant 5632 : i32
    %dma_wait3A_868 = arith.constant 0 : i32
    %dma_wait3A_869 = tpu.memref_slice %arg2[%add3A_866, %dma_wait3A_867, %dma_wait3A_868] : memref<64x8192x64xf32, #tpu.memory_space<hbm>> -> memref<1x512x64xf32, #tpu.memory_space<hbm>>
    %dma_wait3A_870 = arith.constant 5632 : i32
    %dma_wait3A_871 = arith.constant 0 : i32
    %dma_wait3A_872 = tpu.memref_slice %arg2[%add3A_866, %dma_wait3A_870, %dma_wait3A_871] : memref<64x8192x64xf32, #tpu.memory_space<hbm>> -> memref<1x512x64xf32, #tpu.memory_space<hbm>>
    tpu.wait_dma2 semaphore(%arg7 : memref<!tpu.dma_semaphore, #tpu.memory_space<semaphore_mem>>) src(%dma_wait3A_872 : memref<1x512x64xf32, #tpu.memory_space<hbm>>) dst(%arg5 : memref<1x512x64xf32, #tpu.memory_space<vmem>>)
    %add3A_873 = arith.constant 1 : i32
    %add3A_874 = arith.addi %mul3A_2, %add3A_873 : i32
    %dma_start3A_875 = arith.constant 5632 : i32
    %dma_start3A_876 = arith.constant 0 : i32
    %dma_start3A_877 = tpu.memref_slice %arg3[%add3A_874, %dma_start3A_875, %dma_start3A_876] : memref<64x8192x64xf32, #tpu.memory_space<hbm>> -> memref<1x512x64xf32, #tpu.memory_space<hbm>>
    %dma_start3A_878 = arith.constant 5632 : i32
    %dma_start3A_879 = arith.constant 0 : i32
    %dma_start3A_880 = tpu.memref_slice %arg3[%add3A_874, %dma_start3A_878, %dma_start3A_879] : memref<64x8192x64xf32, #tpu.memory_space<hbm>> -> memref<1x512x64xf32, #tpu.memory_space<hbm>>
    tpu.enqueue_dma source(%arg5 : memref<1x512x64xf32, #tpu.memory_space<vmem>>) target(%dma_start3A_880 : memref<1x512x64xf32, #tpu.memory_space<hbm>>) target_semaphore(%arg9 : memref<!tpu.dma_semaphore, #tpu.memory_space<semaphore_mem>>)
    %add3A_881 = arith.constant 1 : i32
    %add3A_882 = arith.addi %mul3A_2, %add3A_881 : i32
    %dma_wait3A_883 = arith.constant 5120 : i32
    %dma_wait3A_884 = arith.constant 0 : i32
    %dma_wait3A_885 = tpu.memref_slice %arg3[%add3A_882, %dma_wait3A_883, %dma_wait3A_884] : memref<64x8192x64xf32, #tpu.memory_space<hbm>> -> memref<1x512x64xf32, #tpu.memory_space<hbm>>
    %dma_wait3A_886 = arith.constant 5120 : i32
    %dma_wait3A_887 = arith.constant 0 : i32
    %dma_wait3A_888 = tpu.memref_slice %arg3[%add3A_882, %dma_wait3A_886, %dma_wait3A_887] : memref<64x8192x64xf32, #tpu.memory_space<hbm>> -> memref<1x512x64xf32, #tpu.memory_space<hbm>>
    tpu.wait_dma2 semaphore(%arg8 : memref<!tpu.dma_semaphore, #tpu.memory_space<semaphore_mem>>) src(%arg4 : memref<1x512x64xf32, #tpu.memory_space<vmem>>) dst(%dma_wait3A_888 : memref<1x512x64xf32, #tpu.memory_space<hbm>>)
    %add3A_889 = arith.constant 1 : i32
    %add3A_890 = arith.addi %mul3A_2, %add3A_889 : i32
    %dma_start3A_891 = arith.constant 6144 : i32
    %dma_start3A_892 = arith.constant 0 : i32
    %dma_start3A_893 = tpu.memref_slice %arg2[%add3A_890, %dma_start3A_891, %dma_start3A_892] : memref<64x8192x64xf32, #tpu.memory_space<hbm>> -> memref<1x512x64xf32, #tpu.memory_space<hbm>>
    %dma_start3A_894 = arith.constant 6144 : i32
    %dma_start3A_895 = arith.constant 0 : i32
    %dma_start3A_896 = tpu.memref_slice %arg2[%add3A_890, %dma_start3A_894, %dma_start3A_895] : memref<64x8192x64xf32, #tpu.memory_space<hbm>> -> memref<1x512x64xf32, #tpu.memory_space<hbm>>
    tpu.enqueue_dma source(%dma_start3A_896 : memref<1x512x64xf32, #tpu.memory_space<hbm>>) target(%arg4 : memref<1x512x64xf32, #tpu.memory_space<vmem>>) target_semaphore(%arg6 : memref<!tpu.dma_semaphore, #tpu.memory_space<semaphore_mem>>)
    %add3A_897 = arith.constant 1 : i32
    %add3A_898 = arith.addi %mul3A_2, %add3A_897 : i32
    %dma_wait3A_899 = arith.constant 6144 : i32
    %dma_wait3A_900 = arith.constant 0 : i32
    %dma_wait3A_901 = tpu.memref_slice %arg2[%add3A_898, %dma_wait3A_899, %dma_wait3A_900] : memref<64x8192x64xf32, #tpu.memory_space<hbm>> -> memref<1x512x64xf32, #tpu.memory_space<hbm>>
    %dma_wait3A_902 = arith.constant 6144 : i32
    %dma_wait3A_903 = arith.constant 0 : i32
    %dma_wait3A_904 = tpu.memref_slice %arg2[%add3A_898, %dma_wait3A_902, %dma_wait3A_903] : memref<64x8192x64xf32, #tpu.memory_space<hbm>> -> memref<1x512x64xf32, #tpu.memory_space<hbm>>
    tpu.wait_dma2 semaphore(%arg6 : memref<!tpu.dma_semaphore, #tpu.memory_space<semaphore_mem>>) src(%dma_wait3A_904 : memref<1x512x64xf32, #tpu.memory_space<hbm>>) dst(%arg4 : memref<1x512x64xf32, #tpu.memory_space<vmem>>)
    %add3A_905 = arith.constant 1 : i32
    %add3A_906 = arith.addi %mul3A_2, %add3A_905 : i32
    %dma_start3A_907 = arith.constant 6144 : i32
    %dma_start3A_908 = arith.constant 0 : i32
    %dma_start3A_909 = tpu.memref_slice %arg3[%add3A_906, %dma_start3A_907, %dma_start3A_908] : memref<64x8192x64xf32, #tpu.memory_space<hbm>> -> memref<1x512x64xf32, #tpu.memory_space<hbm>>
    %dma_start3A_910 = arith.constant 6144 : i32
    %dma_start3A_911 = arith.constant 0 : i32
    %dma_start3A_912 = tpu.memref_slice %arg3[%add3A_906, %dma_start3A_910, %dma_start3A_911] : memref<64x8192x64xf32, #tpu.memory_space<hbm>> -> memref<1x512x64xf32, #tpu.memory_space<hbm>>
    tpu.enqueue_dma source(%arg4 : memref<1x512x64xf32, #tpu.memory_space<vmem>>) target(%dma_start3A_912 : memref<1x512x64xf32, #tpu.memory_space<hbm>>) target_semaphore(%arg8 : memref<!tpu.dma_semaphore, #tpu.memory_space<semaphore_mem>>)
    %add3A_913 = arith.constant 1 : i32
    %add3A_914 = arith.addi %mul3A_2, %add3A_913 : i32
    %dma_wait3A_915 = arith.constant 5632 : i32
    %dma_wait3A_916 = arith.constant 0 : i32
    %dma_wait3A_917 = tpu.memref_slice %arg3[%add3A_914, %dma_wait3A_915, %dma_wait3A_916] : memref<64x8192x64xf32, #tpu.memory_space<hbm>> -> memref<1x512x64xf32, #tpu.memory_space<hbm>>
    %dma_wait3A_918 = arith.constant 5632 : i32
    %dma_wait3A_919 = arith.constant 0 : i32
    %dma_wait3A_920 = tpu.memref_slice %arg3[%add3A_914, %dma_wait3A_918, %dma_wait3A_919] : memref<64x8192x64xf32, #tpu.memory_space<hbm>> -> memref<1x512x64xf32, #tpu.memory_space<hbm>>
    tpu.wait_dma2 semaphore(%arg9 : memref<!tpu.dma_semaphore, #tpu.memory_space<semaphore_mem>>) src(%arg5 : memref<1x512x64xf32, #tpu.memory_space<vmem>>) dst(%dma_wait3A_920 : memref<1x512x64xf32, #tpu.memory_space<hbm>>)
    %add3A_921 = arith.constant 1 : i32
    %add3A_922 = arith.addi %mul3A_2, %add3A_921 : i32
    %dma_start3A_923 = arith.constant 6656 : i32
    %dma_start3A_924 = arith.constant 0 : i32
    %dma_start3A_925 = tpu.memref_slice %arg2[%add3A_922, %dma_start3A_923, %dma_start3A_924] : memref<64x8192x64xf32, #tpu.memory_space<hbm>> -> memref<1x512x64xf32, #tpu.memory_space<hbm>>
    %dma_start3A_926 = arith.constant 6656 : i32
    %dma_start3A_927 = arith.constant 0 : i32
    %dma_start3A_928 = tpu.memref_slice %arg2[%add3A_922, %dma_start3A_926, %dma_start3A_927] : memref<64x8192x64xf32, #tpu.memory_space<hbm>> -> memref<1x512x64xf32, #tpu.memory_space<hbm>>
    tpu.enqueue_dma source(%dma_start3A_928 : memref<1x512x64xf32, #tpu.memory_space<hbm>>) target(%arg5 : memref<1x512x64xf32, #tpu.memory_space<vmem>>) target_semaphore(%arg7 : memref<!tpu.dma_semaphore, #tpu.memory_space<semaphore_mem>>)
    %add3A_929 = arith.constant 1 : i32
    %add3A_930 = arith.addi %mul3A_2, %add3A_929 : i32
    %dma_wait3A_931 = arith.constant 6656 : i32
    %dma_wait3A_932 = arith.constant 0 : i32
    %dma_wait3A_933 = tpu.memref_slice %arg2[%add3A_930, %dma_wait3A_931, %dma_wait3A_932] : memref<64x8192x64xf32, #tpu.memory_space<hbm>> -> memref<1x512x64xf32, #tpu.memory_space<hbm>>
    %dma_wait3A_934 = arith.constant 6656 : i32
    %dma_wait3A_935 = arith.constant 0 : i32
    %dma_wait3A_936 = tpu.memref_slice %arg2[%add3A_930, %dma_wait3A_934, %dma_wait3A_935] : memref<64x8192x64xf32, #tpu.memory_space<hbm>> -> memref<1x512x64xf32, #tpu.memory_space<hbm>>
    tpu.wait_dma2 semaphore(%arg7 : memref<!tpu.dma_semaphore, #tpu.memory_space<semaphore_mem>>) src(%dma_wait3A_936 : memref<1x512x64xf32, #tpu.memory_space<hbm>>) dst(%arg5 : memref<1x512x64xf32, #tpu.memory_space<vmem>>)
    %add3A_937 = arith.constant 1 : i32
    %add3A_938 = arith.addi %mul3A_2, %add3A_937 : i32
    %dma_start3A_939 = arith.constant 6656 : i32
    %dma_start3A_940 = arith.constant 0 : i32
    %dma_start3A_941 = tpu.memref_slice %arg3[%add3A_938, %dma_start3A_939, %dma_start3A_940] : memref<64x8192x64xf32, #tpu.memory_space<hbm>> -> memref<1x512x64xf32, #tpu.memory_space<hbm>>
    %dma_start3A_942 = arith.constant 6656 : i32
    %dma_start3A_943 = arith.constant 0 : i32
    %dma_start3A_944 = tpu.memref_slice %arg3[%add3A_938, %dma_start3A_942, %dma_start3A_943] : memref<64x8192x64xf32, #tpu.memory_space<hbm>> -> memref<1x512x64xf32, #tpu.memory_space<hbm>>
    tpu.enqueue_dma source(%arg5 : memref<1x512x64xf32, #tpu.memory_space<vmem>>) target(%dma_start3A_944 : memref<1x512x64xf32, #tpu.memory_space<hbm>>) target_semaphore(%arg9 : memref<!tpu.dma_semaphore, #tpu.memory_space<semaphore_mem>>)
    %add3A_945 = arith.constant 1 : i32
    %add3A_946 = arith.addi %mul3A_2, %add3A_945 : i32
    %dma_wait3A_947 = arith.constant 6144 : i32
    %dma_wait3A_948 = arith.constant 0 : i32
    %dma_wait3A_949 = tpu.memref_slice %arg3[%add3A_946, %dma_wait3A_947, %dma_wait3A_948] : memref<64x8192x64xf32, #tpu.memory_space<hbm>> -> memref<1x512x64xf32, #tpu.memory_space<hbm>>
    %dma_wait3A_950 = arith.constant 6144 : i32
    %dma_wait3A_951 = arith.constant 0 : i32
    %dma_wait3A_952 = tpu.memref_slice %arg3[%add3A_946, %dma_wait3A_950, %dma_wait3A_951] : memref<64x8192x64xf32, #tpu.memory_space<hbm>> -> memref<1x512x64xf32, #tpu.memory_space<hbm>>
    tpu.wait_dma2 semaphore(%arg8 : memref<!tpu.dma_semaphore, #tpu.memory_space<semaphore_mem>>) src(%arg4 : memref<1x512x64xf32, #tpu.memory_space<vmem>>) dst(%dma_wait3A_952 : memref<1x512x64xf32, #tpu.memory_space<hbm>>)
    %add3A_953 = arith.constant 1 : i32
    %add3A_954 = arith.addi %mul3A_2, %add3A_953 : i32
    %dma_start3A_955 = arith.constant 7168 : i32
    %dma_start3A_956 = arith.constant 0 : i32
    %dma_start3A_957 = tpu.memref_slice %arg2[%add3A_954, %dma_start3A_955, %dma_start3A_956] : memref<64x8192x64xf32, #tpu.memory_space<hbm>> -> memref<1x512x64xf32, #tpu.memory_space<hbm>>
    %dma_start3A_958 = arith.constant 7168 : i32
    %dma_start3A_959 = arith.constant 0 : i32
    %dma_start3A_960 = tpu.memref_slice %arg2[%add3A_954, %dma_start3A_958, %dma_start3A_959] : memref<64x8192x64xf32, #tpu.memory_space<hbm>> -> memref<1x512x64xf32, #tpu.memory_space<hbm>>
    tpu.enqueue_dma source(%dma_start3A_960 : memref<1x512x64xf32, #tpu.memory_space<hbm>>) target(%arg4 : memref<1x512x64xf32, #tpu.memory_space<vmem>>) target_semaphore(%arg6 : memref<!tpu.dma_semaphore, #tpu.memory_space<semaphore_mem>>)
    %add3A_961 = arith.constant 1 : i32
    %add3A_962 = arith.addi %mul3A_2, %add3A_961 : i32
    %dma_wait3A_963 = arith.constant 7168 : i32
    %dma_wait3A_964 = arith.constant 0 : i32
    %dma_wait3A_965 = tpu.memref_slice %arg2[%add3A_962, %dma_wait3A_963, %dma_wait3A_964] : memref<64x8192x64xf32, #tpu.memory_space<hbm>> -> memref<1x512x64xf32, #tpu.memory_space<hbm>>
    %dma_wait3A_966 = arith.constant 7168 : i32
    %dma_wait3A_967 = arith.constant 0 : i32
    %dma_wait3A_968 = tpu.memref_slice %arg2[%add3A_962, %dma_wait3A_966, %dma_wait3A_967] : memref<64x8192x64xf32, #tpu.memory_space<hbm>> -> memref<1x512x64xf32, #tpu.memory_space<hbm>>
    tpu.wait_dma2 semaphore(%arg6 : memref<!tpu.dma_semaphore, #tpu.memory_space<semaphore_mem>>) src(%dma_wait3A_968 : memref<1x512x64xf32, #tpu.memory_space<hbm>>) dst(%arg4 : memref<1x512x64xf32, #tpu.memory_space<vmem>>)
    %add3A_969 = arith.constant 1 : i32
    %add3A_970 = arith.addi %mul3A_2, %add3A_969 : i32
    %dma_start3A_971 = arith.constant 7168 : i32
    %dma_start3A_972 = arith.constant 0 : i32
    %dma_start3A_973 = tpu.memref_slice %arg3[%add3A_970, %dma_start3A_971, %dma_start3A_972] : memref<64x8192x64xf32, #tpu.memory_space<hbm>> -> memref<1x512x64xf32, #tpu.memory_space<hbm>>
    %dma_start3A_974 = arith.constant 7168 : i32
    %dma_start3A_975 = arith.constant 0 : i32
    %dma_start3A_976 = tpu.memref_slice %arg3[%add3A_970, %dma_start3A_974, %dma_start3A_975] : memref<64x8192x64xf32, #tpu.memory_space<hbm>> -> memref<1x512x64xf32, #tpu.memory_space<hbm>>
    tpu.enqueue_dma source(%arg4 : memref<1x512x64xf32, #tpu.memory_space<vmem>>) target(%dma_start3A_976 : memref<1x512x64xf32, #tpu.memory_space<hbm>>) target_semaphore(%arg8 : memref<!tpu.dma_semaphore, #tpu.memory_space<semaphore_mem>>)
    %add3A_977 = arith.constant 1 : i32
    %add3A_978 = arith.addi %mul3A_2, %add3A_977 : i32
    %dma_wait3A_979 = arith.constant 6656 : i32
    %dma_wait3A_980 = arith.constant 0 : i32
    %dma_wait3A_981 = tpu.memref_slice %arg3[%add3A_978, %dma_wait3A_979, %dma_wait3A_980] : memref<64x8192x64xf32, #tpu.memory_space<hbm>> -> memref<1x512x64xf32, #tpu.memory_space<hbm>>
    %dma_wait3A_982 = arith.constant 6656 : i32
    %dma_wait3A_983 = arith.constant 0 : i32
    %dma_wait3A_984 = tpu.memref_slice %arg3[%add3A_978, %dma_wait3A_982, %dma_wait3A_983] : memref<64x8192x64xf32, #tpu.memory_space<hbm>> -> memref<1x512x64xf32, #tpu.memory_space<hbm>>
    tpu.wait_dma2 semaphore(%arg9 : memref<!tpu.dma_semaphore, #tpu.memory_space<semaphore_mem>>) src(%arg5 : memref<1x512x64xf32, #tpu.memory_space<vmem>>) dst(%dma_wait3A_984 : memref<1x512x64xf32, #tpu.memory_space<hbm>>)
    %add3A_985 = arith.constant 1 : i32
    %add3A_986 = arith.addi %mul3A_2, %add3A_985 : i32
    %dma_start3A_987 = arith.constant 7680 : i32
    %dma_start3A_988 = arith.constant 0 : i32
    %dma_start3A_989 = tpu.memref_slice %arg2[%add3A_986, %dma_start3A_987, %dma_start3A_988] : memref<64x8192x64xf32, #tpu.memory_space<hbm>> -> memref<1x512x64xf32, #tpu.memory_space<hbm>>
    %dma_start3A_990 = arith.constant 7680 : i32
    %dma_start3A_991 = arith.constant 0 : i32
    %dma_start3A_992 = tpu.memref_slice %arg2[%add3A_986, %dma_start3A_990, %dma_start3A_991] : memref<64x8192x64xf32, #tpu.memory_space<hbm>> -> memref<1x512x64xf32, #tpu.memory_space<hbm>>
    tpu.enqueue_dma source(%dma_start3A_992 : memref<1x512x64xf32, #tpu.memory_space<hbm>>) target(%arg5 : memref<1x512x64xf32, #tpu.memory_space<vmem>>) target_semaphore(%arg7 : memref<!tpu.dma_semaphore, #tpu.memory_space<semaphore_mem>>)
    %add3A_993 = arith.constant 1 : i32
    %add3A_994 = arith.addi %mul3A_2, %add3A_993 : i32
    %dma_wait3A_995 = arith.constant 7680 : i32
    %dma_wait3A_996 = arith.constant 0 : i32
    %dma_wait3A_997 = tpu.memref_slice %arg2[%add3A_994, %dma_wait3A_995, %dma_wait3A_996] : memref<64x8192x64xf32, #tpu.memory_space<hbm>> -> memref<1x512x64xf32, #tpu.memory_space<hbm>>
    %dma_wait3A_998 = arith.constant 7680 : i32
    %dma_wait3A_999 = arith.constant 0 : i32
    %dma_wait3A_1000 = tpu.memref_slice %arg2[%add3A_994, %dma_wait3A_998, %dma_wait3A_999] : memref<64x8192x64xf32, #tpu.memory_space<hbm>> -> memref<1x512x64xf32, #tpu.memory_space<hbm>>
    tpu.wait_dma2 semaphore(%arg7 : memref<!tpu.dma_semaphore, #tpu.memory_space<semaphore_mem>>) src(%dma_wait3A_1000 : memref<1x512x64xf32, #tpu.memory_space<hbm>>) dst(%arg5 : memref<1x512x64xf32, #tpu.memory_space<vmem>>)
    %add3A_1001 = arith.constant 1 : i32
    %add3A_1002 = arith.addi %mul3A_2, %add3A_1001 : i32
    %dma_start3A_1003 = arith.constant 7680 : i32
    %dma_start3A_1004 = arith.constant 0 : i32
    %dma_start3A_1005 = tpu.memref_slice %arg3[%add3A_1002, %dma_start3A_1003, %dma_start3A_1004] : memref<64x8192x64xf32, #tpu.memory_space<hbm>> -> memref<1x512x64xf32, #tpu.memory_space<hbm>>
    %dma_start3A_1006 = arith.constant 7680 : i32
    %dma_start3A_1007 = arith.constant 0 : i32
    %dma_start3A_1008 = tpu.memref_slice %arg3[%add3A_1002, %dma_start3A_1006, %dma_start3A_1007] : memref<64x8192x64xf32, #tpu.memory_space<hbm>> -> memref<1x512x64xf32, #tpu.memory_space<hbm>>
    tpu.enqueue_dma source(%arg5 : memref<1x512x64xf32, #tpu.memory_space<vmem>>) target(%dma_start3A_1008 : memref<1x512x64xf32, #tpu.memory_space<hbm>>) target_semaphore(%arg9 : memref<!tpu.dma_semaphore, #tpu.memory_space<semaphore_mem>>)
    %add3A_1009 = arith.constant 1 : i32
    %add3A_1010 = arith.addi %mul3A_2, %add3A_1009 : i32
    %dma_wait3A_1011 = arith.constant 7168 : i32
    %dma_wait3A_1012 = arith.constant 0 : i32
    %dma_wait3A_1013 = tpu.memref_slice %arg3[%add3A_1010, %dma_wait3A_1011, %dma_wait3A_1012] : memref<64x8192x64xf32, #tpu.memory_space<hbm>> -> memref<1x512x64xf32, #tpu.memory_space<hbm>>
    %dma_wait3A_1014 = arith.constant 7168 : i32
    %dma_wait3A_1015 = arith.constant 0 : i32
    %dma_wait3A_1016 = tpu.memref_slice %arg3[%add3A_1010, %dma_wait3A_1014, %dma_wait3A_1015] : memref<64x8192x64xf32, #tpu.memory_space<hbm>> -> memref<1x512x64xf32, #tpu.memory_space<hbm>>
    tpu.wait_dma2 semaphore(%arg8 : memref<!tpu.dma_semaphore, #tpu.memory_space<semaphore_mem>>) src(%arg4 : memref<1x512x64xf32, #tpu.memory_space<vmem>>) dst(%dma_wait3A_1016 : memref<1x512x64xf32, #tpu.memory_space<hbm>>)
    %add3A_1017 = arith.constant 1 : i32
    %add3A_1018 = arith.addi %mul3A_2, %add3A_1017 : i32
    %dma_wait3A_1019 = arith.constant 7680 : i32
    %dma_wait3A_1020 = arith.constant 0 : i32
    %dma_wait3A_1021 = tpu.memref_slice %arg3[%add3A_1018, %dma_wait3A_1019, %dma_wait3A_1020] : memref<64x8192x64xf32, #tpu.memory_space<hbm>> -> memref<1x512x64xf32, #tpu.memory_space<hbm>>
    %dma_wait3A_1022 = arith.constant 7680 : i32
    %dma_wait3A_1023 = arith.constant 0 : i32
    %dma_wait3A_1024 = tpu.memref_slice %arg3[%add3A_1018, %dma_wait3A_1022, %dma_wait3A_1023] : memref<64x8192x64xf32, #tpu.memory_space<hbm>> -> memref<1x512x64xf32, #tpu.memory_space<hbm>>
    tpu.wait_dma2 semaphore(%arg9 : memref<!tpu.dma_semaphore, #tpu.memory_space<semaphore_mem>>) src(%arg5 : memref<1x512x64xf32, #tpu.memory_space<vmem>>) dst(%dma_wait3A_1024 : memref<1x512x64xf32, #tpu.memory_space<hbm>>)
    return
  }
}

</mosaic_0001>

<sc_bundles>
// kernel: kernel.3.cloned.1.call-start
scs
__scs_entry_jumppad:
0x0: {  	(pc) =	sbr.rel $0x88, $3  }
0x1: {  	(tag) =	ssettag $0x0;
	lr =	simm.s32 $0x1  }
0x2: {  	[smem:$0x3FA0] =	sst lr;
	_ =	strace $0xD0000000  }
0x3: {  	_ = 	snop  }
0x4: {  	_ = 	snop  }
0x5: {  	_ = 	snop  }
0x6: {  	_ = 	snop  }
0x7: {  	_ = 	snop  }
__scs_overlays_trampoline_lowered:
0x8: {  	[smem:$0x3FAF] =	sst s0  }
0x9: {  	[smem:$0x3FB0] =	sst s1  }
0xa: {  	[smem:$0x3FB1] =	sst s2  }
0xb: {  	[smem:$0x3FB2] =	sst s3  }
0xc: {  	[smem:$0x3FB3] =	sst s4  }
0xd: {  	[smem:$0x3FB4] =	sst s5  }
0xe: {  	[smem:$0x3FB5] =	sst s6  }
0xf: {  	[smem:$0x3FB6] =	sst s7  }
0x10: {  	[smem:$0x3FB7] =	sst s8  }
0x11: {  	[smem:$0x3FB8] =	sst s9;
	s0 =	simm.s32 @!p0 $0x0  }
0x12: {  	s1 =	sld [smem:$0x3F9E];
	s0 =	simm.s32 @p0 $0x1  }
0x13: {  	[smem:$0x3FB9] =	sst s0;
	s0 =	simm.s32 @!p1 $0x0  }
0x14: {  	s2 =	sld [smem:$0x3F9D];
	s0 =	simm.s32 @p1 $0x1  }
0x15: {  	[smem:$0x3FBA] =	sst s0;
	s0 =	simm.s32 @!p2 $0x0  }
0x16: {  	s3 =	sld [smem:$0x3FDB];
	s0 =	simm.s32 @p2 $0x1  }
0x17: {  	s4 =	simm.s32 $0x1BF5;
	[smem:$0x3FBC] =	sst s0  }
0x18: {  	s0 =	sld [smem:$0x3F9F];
	_ =	swait.ge [sflag:s4], $0x0  }
0x19: {  	s7 =	sld [smem:$0x3FA0]  }
0x1a: {  	s8 =	sadd.s32 $0xFFFFE003, lr  }
0x1b: {  	s9 =	sadd.s32 $0xFFFFFEF7, lr;
	s5 =	simm.s32 $0xFFFFFFFF;
	p2 =	slt.u32 s8, $0xFFFFF086  }
0x1c: {  	p1 =	slt.u32 s9, $0xF7A;
	s5 =	simm.s32 @!p2 $0x0  }
0x1d: {  	s5 =	simm.s32 @p1 $0x1;
	p0 =	seq.s32 s7, s2  }
0x1e: {  	s7 =	smul.u32 @!p0 $0xF7A, s2;
	p2 =	seq.s32 @!p0 s5, $0x0  }
0x1f: {  	s9 =	smul.u32 $0xF7A, s1;
	s8 =	simm.s32 @!p0 $0x1BF5;
	p2 =	por !p2, p0  }
0x20: {  	[sflag:s8] =	ssyncset.s32 @!p0 $0xFFFFF086;
	s6 =	sadd.s32 @!p0 s3, s7;
	s7 =	simm.s32 @!p0 $0x108  }
0x21: {  	s3 =	sadd.s32 s3, s9;
	s6 =	sadd.s32 @!p0 $0x88, s6;
	s7 =	simm.s32 @p2 $0x1082  }
0x22: {  	[simem:s7], [sflag:s8] =	dma.local @!p0 [hbm:s6], $0xF7A  }
0x23: {  	s9 =	sor.u32 $0xD0000000, s2;
	s6 =	simm.s32 $0x108;
	_ =	swait.ge @!p0 [sflag:s8], $0x0  }
0x24: {  	s3 =	sadd.s32 $0x88, s3;
	s6 =	simm.s32 @!p1 $0x1082;
	[sflag:s4] =	ssyncset.s32 $0xFFFFF086  }
0x25: {  	[simem:s6], [sflag:s4] =	dma.local [hbm:s3], $0xF7A  }
0x26: {  	[smem:$0x3FA0] =	sst s1;
	(tag) =	ssettag s2;
	_ =	strace s9  }
0x27: {  	s1 =	sld [smem:$0x3FB0]  }
0x28: {  	s2 =	sld [smem:$0x3FB1]  }
0x29: {  	s4 =	sld [smem:$0x3FB3]  }
0x2a: {  	p0 =	seq.s32 s5, $0x0;
	s5 =	sld [smem:$0x3FB4]  }
0x2b: {  	s6 =	sld [smem:$0x3FB5]  }
0x2c: {  	s7 =	sld [smem:$0x3FB6]  }
0x2d: {  	s3 =	simm.s32 $0x108;
	s8 =	sld [smem:$0x3FB7]  }
0x2e: {  	s3 =	simm.s32 @!p0 $0x1082;
	s9 =	sld [smem:$0x3FB8]  }
0x2f: {  	lr =	sadd.s32 s0, s3;
	s0 =	sld [smem:$0x3FAF]  }
0x30: {  	s3 =	sld [smem:$0x3FB2]  }
0x31: {  	[smem:$0x3FBB] =	sst s10  }
0x32: {  	s10 =	sld [smem:$0x3FB9];
	_ =	sdelay $0x3  }
0x33: {  	p0 =	seq.s32 s10, $0x1;
	s10 =	sld [smem:$0x3FBB];
	_ =	sdelay $0x3  }
0x34: {  	[smem:$0x3FBB] =	sst s10  }
0x35: {  	s10 =	sld [smem:$0x3FBA];
	_ =	sdelay $0x3  }
0x36: {  	p1 =	seq.s32 s10, $0x1;
	s10 =	sld [smem:$0x3FBB];
	_ =	sdelay $0x3  }
0x37: {  	[smem:$0x3FBB] =	sst s10  }
0x38: {  	s10 =	sld [smem:$0x3FBC]  }
0x39: {  	_ = 	snop;
	(pc) =	sbr.ind lr, $3  }
0x3a: {  	_ = 	snop  }
0x3b: {  	_ = 	snop  }
0x3c: {  	p2 =	seq.s32 s10, $0x1;
	s10 =	sld [smem:$0x3FBB]  }
0x3d: {  	_ =	shalt  }
0x3e: {  	_ =	shalt  }
0x3f: {  	_ =	shalt  }
0x40: {  	_ =	shalt  }
0x41: {  	_ =	shalt  }
0x42: {  	_ =	shalt  }
0x43: {  	_ =	shalt  }
0x44: {  	_ =	shalt  }
0x45: {  	_ =	shalt  }
0x46: {  	_ =	shalt  }
0x47: {  	_ =	shalt  }
0x48: {  	_ =	shalt  }
0x49: {  	_ =	shalt  }
0x4a: {  	_ =	shalt  }
0x4b: {  	_ =	shalt  }
0x4c: {  	_ =	shalt  }
0x4d: {  	_ =	shalt  }
0x4e: {  	_ =	shalt  }
0x4f: {  	_ =	shalt  }
0x50: {  	_ =	shalt  }
0x51: {  	_ =	shalt  }
0x52: {  	_ =	shalt  }
0x53: {  	_ =	shalt  }
0x54: {  	_ =	shalt  }
0x55: {  	_ =	shalt  }
0x56: {  	_ =	shalt  }
0x57: {  	_ =	shalt  }
0x58: {  	_ =	shalt  }
0x59: {  	_ =	shalt  }
0x5a: {  	_ =	shalt  }
0x5b: {  	_ =	shalt  }
0x5c: {  	_ =	shalt  }
0x5d: {  	_ =	shalt  }
0x5e: {  	_ =	shalt  }
0x5f: {  	_ =	shalt  }
0x60: {  	_ =	shalt  }
0x61: {  	_ =	shalt  }
0x62: {  	_ =	shalt  }
0x63: {  	_ =	shalt  }
0x64: {  	_ =	shalt  }
0x65: {  	_ =	shalt  }
0x66: {  	_ =	shalt  }
0x67: {  	_ =	shalt  }
0x68: {  	_ =	shalt  }
0x69: {  	_ =	shalt  }
0x6a: {  	_ =	shalt  }
0x6b: {  	_ =	shalt  }
0x6c: {  	_ =	shalt  }
0x6d: {  	_ =	shalt  }
0x6e: {  	_ =	shalt  }
0x6f: {  	_ =	shalt  }
0x70: {  	_ =	shalt  }
0x71: {  	_ =	shalt  }
0x72: {  	_ =	shalt  }
0x73: {  	_ =	shalt  }
0x74: {  	_ =	shalt  }
0x75: {  	_ =	shalt  }
0x76: {  	_ =	shalt  }
0x77: {  	_ =	shalt  }
0x78: {  	_ =	shalt  }
0x79: {  	_ =	shalt  }
0x7a: {  	_ =	shalt  }
0x7b: {  	_ =	shalt  }
0x7c: {  	_ =	shalt  }
0x7d: {  	_ =	shalt  }
0x7e: {  	_ =	shalt  }
0x7f: {  	_ =	shalt  }
0x80: {  	_ =	shalt  }
0x81: {  	_ =	shalt  }
0x82: {  	_ =	shalt  }
0x83: {  	_ =	shalt  }
0x84: {  	_ =	shalt  }
0x85: {  	_ =	shalt  }
0x86: {  	_ =	shalt  }
0x87: {  	_ =	shalt  }
.Lfunc_end0:
.L_simem_size_0:
called_computation_lowered:
.L_overlay_start_0:
0x88: {  	s2 =	sld [smem:$0x3FD9]  }
0x89: {  	s3 =	sld [smem:$0x3FFE];
	_ =	sdelay $0x1  }
0x8a: {  	s1 =	srdreg.scid  }
0x8b: {  	s0 =	sand.u32 $0x1, s1  }
0x8c: {  	s16 =	sshll.u32 s0, $0xA;
	s2 =	sadd.s32 s3, s2  }
0x8d: {  	s2 =	sadd.s32 s2, s16  }
0x8e: {  	[smem:$0x3FC7] =	sst s2  }
0x8f: {  	_ = 	snop  }
0x90: {  	(tm) =	ssettm $0x1  }
0x91: {  	s17 =	sld [smem:$0x3FFB];
	_ =	sdelay $0x3  }
0x92: {  	_ =	strace s17  }
0x93: {  	s2 =	sld [smem:$0x3FFC];
	_ =	sdelay $0x3  }
0x94: {  	_ =	strace s2  }
0x95: {  	s2 =	sld [smem:$0x3FFD];
	_ =	sdelay $0x3  }
0x96: {  	_ =	strace s2  }
0x97: {  	_ =	strace $0x8FFFFFFF  }
0x98: {  	s18 =	sld [smem:$0x3FDB];
	_ =	sdelay $0x1  }
0x99: {  	s19 =	simm.s32 $_scs_section_size  }
0x9a: {  	s4 =	simm.s32 $_size__tile_overlayer_lowered;
	s5 =	simm.s32 $_tile_overlayer_lowered  }
0x9b: {  	s22 =	simm.s32 $0x1BFF;
	s21 =	sshll.u32 s5, $0x1;
	s2 =	sadd.s32 s19, s18  }
0x9c: {  	s6 =	simm.s32 $0x0;
	s20 =	sshll.u32 s4, $0x1;
	s4 =	sadd.s32 s21, s2  }
0x9d: {  	[timem:s6], [sflag:s22] =	dma.local [hbm:s4], s20  }
0x9e: {  	_ =	swait.ge [sflag:s22], s20  }
0x9f: {  	s3 =	ssub.s32 $0x0, s20;
	[sflag:s22] =	ssyncset.done $0x0  }
0xa0: {  	[sflag:s22] =	ssyncadd.s32 s3;
	_ =	sdelay $0x1  }
0xa1: {  	s23 =	simm.s32 $0x1B8B  }
0xa2: {  	_ =	swait.ge [sflag:s23], $0x1  }
0xa3: {  	[sflag:s23] =	ssyncset.done $0x0  }
0xa4: {  	s25 =	simm.s32 $0x1B8E;
	s24 =	sld [smem:$0x3FFE];
	[sflag:s23] =	ssyncadd.s32 $0xFFFFFFFF  }
0xa5: {  	s26 =	simm.s32 $execute0_lowered;
	[smem:$0x3FD2] =	sst s25  }
0xa6: {  	s4 =	sshll.u32 s26, $0x1;
	_ =	strace $0x80000046;
	[dreg:$0x1] =	wrdreg $0xFFFFFFFF  }
0xa7: {  	s28 =	simm.s32 $_size_execute0_lowered;
	s2 =	sadd.s32 s2, s4;
	[dreg:$0x0] =	wrdreg $0x0  }
0xa8: {  	s4 =	sshll.u32 s28, $0x1;
	[dreg:$0x2] =	wrdreg s2  }
0xa9: {  	[dreg:$0x3] =	wrdreg s4  }
0xaa: {  	[dreg:$0x4] =	wrdreg $0xC0  }
0xab: {  	_ =	task [dreg:s6], $0x5FFFF  }
0xac: {  	[dreg:$0x1] =	wrdreg $0xFFFFFFFF  }
0xad: {  	[dreg:$0x0] =	wrdreg $0x60  }
0xae: {  	[dreg:$0x2] =	wrdreg s24  }
0xaf: {  	[dreg:$0x3] =	wrdreg $0x9  }
0xb0: {  	_ =	task.clear_ibuf [dreg:s6], $0x4FFFF;
	_ =	strace $0x90000046  }
0xb1: {  	s29 =	simm.s32 $0x9;
	_ =	strace $0x80000048  }
0xb2: {  	_ =	swait.ge [sflag:s29], $0x1  }
0xb3: {  	[sflag:s29] =	ssyncadd.s32 $0xFFFFFFFF  }
0xb4: {  	_ =	strace $0x90000048  }
0xb5: {  	_ =	sfence  }
0xb6: {  	s30 =	sld [smem:$0x0];
	_ =	sdelay $0x2  }
0xb7: {  	s31 =	sshll.u32 s1, $0xD;
	s1 =	sshrl.u32 s1, $0x2  }
0xb8: {  	s3 =	sand.u32 $0x4000, s31;
	s1 =	sadd.s32 s1, s30  }
0xb9: {  	s0 =	sor.u32 s3, s0;
	s1 =	sshll.u32 s1, $0x11  }
0xba: {  	s0 =	sor.u32 s1, s0  }
0xbb: {  	s0 =	sadd.s32 $0x8F2B, s0  }
0xbc: {  	[sflag:s0] =	ssyncadd.remote.s32 $0x1  }
0xbd: {  	_ =	sfence.sel $0xFFFF  }
0xbe: {  	[dreg:$0x0] =	wrdreg $0xFFFFFFFF;
	(pc) =	sbr.abs _section_cstart, $3  }
0xbf: {  	[dreg:$0x1] =	wrdreg $0xFFFFFFFF  }
0xc0: {  	_ =	task.clear_ibuf [dreg:s6], $0x2FFFF;
	_ =	strace $0x9FFFFFFF  }
0xc1: {  	(tm) =	ssettm $0x7FFFFFFF  }
tec
execute0_lowered:
.L_overlay_start_1:
0x0: {  	(tag) =	ssettag $0x1  }
0x1: {  	s0 =	srdreg.scid  }
0x2: {  	s1 =	rddreg [dreg:$0x0];
	s3 =	stileid.u32;
	s5 =	sand.u32 $0x1, s0  }
0x3: {  	s2 =	simm.s32 $0x0;
	s3 =	sshll.u32 s3, $0x13;
	s4 =	sshll.u32 s5, $0x12  }
0x4: {  	[smem:$0x7FF] =	sst s2;
	s0 =	sadd.s32 $0x400, s1;
	s4 =	sor.u32 s4, s3  }
0x5: {  	_ =	strace $0x80000047;
	s3 =	sadd.s32 $0x800400, s1;
	s12 =	sadd.s32 s0, s4  }
0x6: {  	s13 =	sadd.s32 s3, s4;
	s6 =	sor.u32 $0x2000, s4;
	[dreg:$0x2] =	wrdreg s12  }
0x7: {  	[dreg:$0x3] =	wrdreg s13;
	s14 =	sadd.s32 s0, s6  }
0x8: {  	s16 =	sor.u32 $0x4000, s4;
	s15 =	sadd.s32 s3, s6;
	[dreg:$0x4] =	wrdreg s14  }
0x9: {  	s17 =	sadd.s32 s0, s16;
	[dreg:$0x5] =	wrdreg s15  }
0xa: {  	s19 =	sor.u32 $0x6000, s4;
	s18 =	sadd.s32 s3, s16;
	[dreg:$0x6] =	wrdreg s17  }
0xb: {  	s20 =	sadd.s32 s0, s19;
	[dreg:$0x7] =	wrdreg s18  }
0xc: {  	s22 =	sor.u32 $0x8000, s4;
	s21 =	sadd.s32 s3, s19;
	[dreg:$0x8] =	wrdreg s20  }
0xd: {  	s23 =	sadd.s32 s0, s22;
	[dreg:$0x9] =	wrdreg s21  }
0xe: {  	s25 =	sor.u32 $0xA000, s4;
	s24 =	sadd.s32 s3, s22;
	[dreg:$0xa] =	wrdreg s23  }
0xf: {  	s26 =	sadd.s32 s0, s25;
	[dreg:$0xb] =	wrdreg s24  }
0x10: {  	s7 =	sor.u32 $0xC000, s4;
	s6 =	sadd.s32 s3, s25;
	[dreg:$0xc] =	wrdreg s26  }
0x11: {  	s8 =	sadd.s32 s0, s7;
	[dreg:$0xd] =	wrdreg s6  }
0x12: {  	s10 =	sor.u32 $0xE000, s4;
	s9 =	sadd.s32 s3, s7;
	[dreg:$0xe] =	wrdreg s8  }
0x13: {  	s11 =	sadd.s32 s0, s10;
	[dreg:$0xf] =	wrdreg s9  }
0x14: {  	s12 =	sadd.s32 s3, s10;
	[dreg:$0x10] =	wrdreg s11  }
0x15: {  	s13 =	sor.u32 $0x10000, s4;
	[dreg:$0x11] =	wrdreg s12  }
0x16: {  	s14 =	sadd.s32 s0, s13;
	s1 =	rddreg [dreg:$0x2]  }
0x17: {  	s16 =	sor.u32 $0x12000, s4;
	s15 =	sadd.s32 s3, s13;
	[dreg:$0x12] =	wrdreg s14  }
0x18: {  	p0 =	por $0x0, $0x0;
	s17 =	sadd.s32 s0, s16;
	[dreg:$0x13] =	wrdreg s15  }
0x19: {  	s19 =	sor.u32 $0x14000, s4;
	s18 =	sadd.s32 s3, s16;
	[dreg:$0x14] =	wrdreg s17  }
0x1a: {  	s5 =	ssub.s32 $0x2, s5;
	s20 =	sadd.s32 s0, s19;
	[dreg:$0x15] =	wrdreg s18  }
0x1b: {  	s22 =	sor.u32 $0x16000, s4;
	s21 =	sadd.s32 s3, s19;
	[dreg:$0x16] =	wrdreg s20  }
0x1c: {  	s25 =	sor.u32 $0x18000, s4;
	s23 =	sadd.s32 s0, s22;
	[dreg:$0x17] =	wrdreg s21  }
0x1d: {  	s7 =	sor.u32 $0x1A000, s4;
	s24 =	sadd.s32 s3, s22;
	[dreg:$0x18] =	wrdreg s23  }
0x1e: {  	s10 =	sor.u32 $0x1C000, s4;
	s26 =	sadd.s32 s0, s25;
	[dreg:$0x19] =	wrdreg s24  }
0x1f: {  	s6 =	sadd.s32 s3, s25;
	s8 =	sadd.s32 s0, s7;
	[dreg:$0x1a] =	wrdreg s26  }
0x20: {  	s9 =	sadd.s32 s3, s7;
	s11 =	sadd.s32 s0, s10;
	[dreg:$0x1b] =	wrdreg s6  }
0x21: {  	s12 =	sadd.s32 s3, s10;
	s13 =	sor.u32 $0x1E000, s4;
	[dreg:$0x1c] =	wrdreg s8  }
0x22: {  	s16 =	sor.u32 $0x20000, s4;
	s19 =	sor.u32 $0x22000, s4;
	[dreg:$0x1d] =	wrdreg s9  }
0x23: {  	s22 =	sor.u32 $0x24000, s4;
	s25 =	sor.u32 $0x26000, s4;
	[dreg:$0x1e] =	wrdreg s11  }
0x24: {  	s7 =	sshrl.u32 s5, $0x1;
	[dreg:$0x1f] =	wrdreg s12;
	s14 =	sadd.s32 s0, s13  }
0x25: {  	s10 =	sor.u32 $0x2A000, s4;
	s15 =	sadd.s32 s3, s13;
	[smem:$0x7F3] =	sst s14  }
0x26: {  	s17 =	sadd.s32 s0, s16;
	s18 =	sadd.s32 s3, s16;
	[smem:$0x7F4] =	sst s15  }
0x27: {  	s20 =	sadd.s32 s0, s19;
	s21 =	sadd.s32 s3, s19;
	[smem:$0x7F5] =	sst s17  }
0x28: {  	s23 =	sadd.s32 s0, s22;
	s24 =	sadd.s32 s3, s22;
	[smem:$0x7F6] =	sst s18  }
0x29: {  	s26 =	sadd.s32 s0, s25;
	s6 =	sadd.s32 s3, s25;
	[smem:$0x7F7] =	sst s20  }
0x2a: {  	s8 =	sor.u32 $0x28000, s4;
	s5 =	ssub.s32 s5, s7;
	[smem:$0x7F8] =	sst s21  }
0x2b: {  	s30 =	sadd.s32 s0, s10;
	s29 =	sadd.s32 s3, s10;
	[smem:$0x7F9] =	sst s23  }
0x2c: {  	s11 =	sor.u32 $0x2C000, s4;
	s12 =	sor.u32 $0x2E000, s4;
	[smem:$0x7FA] =	sst s24  }
0x2d: {  	s13 =	sor.u32 $0x30000, s4;
	s16 =	sor.u32 $0x36000, s4;
	[smem:$0x7FB] =	sst s26  }
0x2e: {  	s7 =	sor.u32 $0x3A000, s4;
	s10 =	sor.u32 $0x3E000, s4;
	[smem:$0x7FC] =	sst s6  }
0x2f: {  	s9 =	sadd.s32 s0, s8;
	s31 =	sadd.s32 s3, s8;
	s28 =	sadd.s32 s0, s11  }
0x30: {  	s26 =	sadd.s32 s3, s11;
	s25 =	sadd.s32 s0, s12;
	s24 =	sadd.s32 s3, s12  }
0x31: {  	s23 =	sadd.s32 s0, s13;
	s22 =	sadd.s32 s3, s13;
	s14 =	sor.u32 $0x32000, s4  }
0x32: {  	s15 =	sor.u32 $0x34000, s4;
	s17 =	sadd.s32 s0, s16;
	s16 =	sadd.s32 s3, s16  }
0x33: {  	s6 =	sor.u32 $0x38000, s4;
	s12 =	sadd.s32 s0, s7;
	s11 =	sadd.s32 s3, s7  }
0x34: {  	s8 =	sor.u32 $0x3C000, s4;
	s4 =	sadd.s32 s0, s10;
	s13 =	smax.u32 s5, $0x1  }
0x35: {  	s7 =	simm.s32 $0x3;
	s5 =	simm.s32 $0x4;
	p1 =	sne.s32 s13, $0x1  }
.Ltmp0:
0x36: {  	[smem:$0x7FD] =	sst s9;
	s21 =	sadd.s32 s0, s14;
	(pc) =	sbr.rel @!p1 .LBB2_3-.Ltmp0, $4  }
0x37: {  	s20 =	sadd.s32 s3, s14;
	s19 =	sadd.s32 s0, s15;
	s18 =	sadd.s32 s3, s15  }
0x38: {  	s15 =	sadd.s32 s0, s6;
	s14 =	sadd.s32 s3, s6;
	s9 =	sadd.s32 s0, s8  }
0x39: {  	s6 =	sadd.s32 s3, s8;
	s3 =	sadd.s32 s3, s10;
	s0 =	sadd.s32 $0xFFFFFFFF, s13  }
0x3a: {  	s13 =	simm.s32 $0x1;
	s8 =	simm.s32 $0x10000;
	s10 =	simm.s32 $0x2  }
0x3b: {  	[tilespmem:s2], [sflag:$0x1] =	stream.linear.gather [hbm4b:s1+s2], $0x10000, $0x38;
	v63 =	vld [tilespmem:$0x0]  }
0x3c: {  	_ =	swait.ge [sflag:s13], $0x10000  }
0x3d: {  	s1 =	rddreg [dreg:$0x3];
	[sflag:s13] =	ssyncset.done $0x0  }
0x3e: {  	[smem:$0x7F2] =	sst s0;
	[sflag:s13] =	ssyncadd.s32 $0xFFFF0000  }
0x3f: {  	[hbm4b:s1+s2] =	stream.linear.scatter [tilespmem:s2], [sflag:$0x3], $0x10000, $0x38;
	v63 =	vld [tilespmem:$0x0]  }
0x40: {  	s0 =	rddreg [dreg:$0x4]  }
0x41: {  	[tilespmem:s8], [sflag:$0x2] =	stream.linear.gather [hbm4b:s0+s2], $0x10000, $0x38;
	v63 =	vld [tilespmem:$0x0]  }
0x42: {  	_ =	swait.ge [sflag:s10], $0x10000  }
0x43: {  	[sflag:s10] =	ssyncset.done $0x0  }
0x44: {  	s1 =	rddreg [dreg:$0x5];
	[sflag:s10] =	ssyncadd.s32 $0xFFFF0000  }
0x45: {  	[hbm4b:s1+s2] =	stream.linear.scatter [tilespmem:s8], [sflag:$0x4], $0x10000, $0x38;
	v63 =	vld [tilespmem:$0x0]  }
0x46: {  	_ =	swait.ge [sflag:s7], $0x10000  }
0x47: {  	[sflag:s7] =	ssyncset.done $0x0  }
0x48: {  	s1 =	rddreg [dreg:$0x6];
	[sflag:s7] =	ssyncadd.s32 $0xFFFF0000  }
0x49: {  	[tilespmem:s2], [sflag:$0x1] =	stream.linear.gather [hbm4b:s1+s2], $0x10000, $0x38;
	v63 =	vld [tilespmem:$0x0]  }
0x4a: {  	_ =	swait.ge [sflag:s13], $0x10000  }
0x4b: {  	[sflag:s13] =	ssyncset.done $0x0  }
0x4c: {  	s1 =	rddreg [dreg:$0x7];
	[sflag:s13] =	ssyncadd.s32 $0xFFFF0000  }
0x4d: {  	[hbm4b:s1+s2] =	stream.linear.scatter [tilespmem:s2], [sflag:$0x3], $0x10000, $0x38;
	v63 =	vld [tilespmem:$0x0]  }
0x4e: {  	_ =	swait.ge [sflag:s5], $0x10000  }
0x4f: {  	[sflag:s5] =	ssyncset.done $0x0  }
0x50: {  	s1 =	rddreg [dreg:$0x8];
	[sflag:s5] =	ssyncadd.s32 $0xFFFF0000  }
0x51: {  	[tilespmem:s8], [sflag:$0x2] =	stream.linear.gather [hbm4b:s1+s2], $0x10000, $0x38;
	v63 =	vld [tilespmem:$0x0]  }
0x52: {  	_ =	swait.ge [sflag:s10], $0x10000  }
0x53: {  	[sflag:s10] =	ssyncset.done $0x0  }
0x54: {  	s1 =	rddreg [dreg:$0x9];
	[sflag:s10] =	ssyncadd.s32 $0xFFFF0000  }
0x55: {  	[hbm4b:s1+s2] =	stream.linear.scatter [tilespmem:s8], [sflag:$0x4], $0x10000, $0x38;
	v63 =	vld [tilespmem:$0x0]  }
0x56: {  	_ =	swait.ge [sflag:s7], $0x10000  }
0x57: {  	[sflag:s7] =	ssyncset.done $0x0  }
0x58: {  	s1 =	rddreg [dreg:$0xa];
	[sflag:s7] =	ssyncadd.s32 $0xFFFF0000  }
0x59: {  	[tilespmem:s2], [sflag:$0x1] =	stream.linear.gather [hbm4b:s1+s2], $0x10000, $0x38;
	v63 =	vld [tilespmem:$0x0]  }
0x5a: {  	_ =	swait.ge [sflag:s13], $0x10000  }
0x5b: {  	[sflag:s13] =	ssyncset.done $0x0  }
0x5c: {  	s1 =	rddreg [dreg:$0xb];
	[sflag:s13] =	ssyncadd.s32 $0xFFFF0000  }
0x5d: {  	[hbm4b:s1+s2] =	stream.linear.scatter [tilespmem:s2], [sflag:$0x3], $0x10000, $0x38;
	v63 =	vld [tilespmem:$0x0]  }
0x5e: {  	_ =	swait.ge [sflag:s5], $0x10000  }
0x5f: {  	[sflag:s5] =	ssyncset.done $0x0  }
0x60: {  	s1 =	rddreg [dreg:$0xc];
	[sflag:s5] =	ssyncadd.s32 $0xFFFF0000  }
0x61: {  	[tilespmem:s8], [sflag:$0x2] =	stream.linear.gather [hbm4b:s1+s2], $0x10000, $0x38;
	v63 =	vld [tilespmem:$0x0]  }
0x62: {  	_ =	swait.ge [sflag:s10], $0x10000  }
0x63: {  	[sflag:s10] =	ssyncset.done $0x0  }
0x64: {  	s1 =	rddreg [dreg:$0xd];
	[sflag:s10] =	ssyncadd.s32 $0xFFFF0000  }
0x65: {  	[hbm4b:s1+s2] =	stream.linear.scatter [tilespmem:s8], [sflag:$0x4], $0x10000, $0x38;
	v63 =	vld [tilespmem:$0x0]  }
0x66: {  	_ =	swait.ge [sflag:s7], $0x10000  }
0x67: {  	[sflag:s7] =	ssyncset.done $0x0  }
0x68: {  	s1 =	rddreg [dreg:$0xe];
	[sflag:s7] =	ssyncadd.s32 $0xFFFF0000  }
0x69: {  	[tilespmem:s2], [sflag:$0x1] =	stream.linear.gather [hbm4b:s1+s2], $0x10000, $0x38;
	v63 =	vld [tilespmem:$0x0]  }
0x6a: {  	_ =	swait.ge [sflag:s13], $0x10000  }
0x6b: {  	[sflag:s13] =	ssyncset.done $0x0  }
0x6c: {  	s1 =	rddreg [dreg:$0xf];
	[sflag:s13] =	ssyncadd.s32 $0xFFFF0000  }
0x6d: {  	[hbm4b:s1+s2] =	stream.linear.scatter [tilespmem:s2], [sflag:$0x3], $0x10000, $0x38;
	v63 =	vld [tilespmem:$0x0]  }
0x6e: {  	_ =	swait.ge [sflag:s5], $0x10000  }
0x6f: {  	[sflag:s5] =	ssyncset.done $0x0  }
0x70: {  	s1 =	rddreg [dreg:$0x10];
	[sflag:s5] =	ssyncadd.s32 $0xFFFF0000  }
0x71: {  	[tilespmem:s8], [sflag:$0x2] =	stream.linear.gather [hbm4b:s1+s2], $0x10000, $0x38;
	v63 =	vld [tilespmem:$0x0]  }
0x72: {  	_ =	swait.ge [sflag:s10], $0x10000  }
0x73: {  	[sflag:s10] =	ssyncset.done $0x0  }
0x74: {  	s1 =	rddreg [dreg:$0x11];
	[sflag:s10] =	ssyncadd.s32 $0xFFFF0000  }
0x75: {  	[hbm4b:s1+s2] =	stream.linear.scatter [tilespmem:s8], [sflag:$0x4], $0x10000, $0x38;
	v63 =	vld [tilespmem:$0x0]  }
0x76: {  	_ =	swait.ge [sflag:s7], $0x10000  }
0x77: {  	[sflag:s7] =	ssyncset.done $0x0  }
0x78: {  	s1 =	rddreg [dreg:$0x12];
	[sflag:s7] =	ssyncadd.s32 $0xFFFF0000  }
0x79: {  	[tilespmem:s2], [sflag:$0x1] =	stream.linear.gather [hbm4b:s1+s2], $0x10000, $0x38;
	v63 =	vld [tilespmem:$0x0]  }
0x7a: {  	_ =	swait.ge [sflag:s13], $0x10000  }
0x7b: {  	[sflag:s13] =	ssyncset.done $0x0  }
0x7c: {  	s1 =	rddreg [dreg:$0x13];
	[sflag:s13] =	ssyncadd.s32 $0xFFFF0000  }
0x7d: {  	[hbm4b:s1+s2] =	stream.linear.scatter [tilespmem:s2], [sflag:$0x3], $0x10000, $0x38;
	v63 =	vld [tilespmem:$0x0]  }
0x7e: {  	_ =	swait.ge [sflag:s5], $0x10000  }
0x7f: {  	[sflag:s5] =	ssyncset.done $0x0  }
0x80: {  	s1 =	rddreg [dreg:$0x14];
	[sflag:s5] =	ssyncadd.s32 $0xFFFF0000  }
0x81: {  	[tilespmem:s8], [sflag:$0x2] =	stream.linear.gather [hbm4b:s1+s2], $0x10000, $0x38;
	v63 =	vld [tilespmem:$0x0]  }
0x82: {  	_ =	swait.ge [sflag:s10], $0x10000  }
0x83: {  	[sflag:s10] =	ssyncset.done $0x0  }
0x84: {  	s1 =	rddreg [dreg:$0x15];
	[sflag:s10] =	ssyncadd.s32 $0xFFFF0000  }
0x85: {  	[hbm4b:s1+s2] =	stream.linear.scatter [tilespmem:s8], [sflag:$0x4], $0x10000, $0x38;
	v63 =	vld [tilespmem:$0x0]  }
0x86: {  	_ =	swait.ge [sflag:s7], $0x10000  }
0x87: {  	[sflag:s7] =	ssyncset.done $0x0  }
0x88: {  	s1 =	rddreg [dreg:$0x16];
	[sflag:s7] =	ssyncadd.s32 $0xFFFF0000  }
0x89: {  	[tilespmem:s2], [sflag:$0x1] =	stream.linear.gather [hbm4b:s1+s2], $0x10000, $0x38;
	v63 =	vld [tilespmem:$0x0]  }
0x8a: {  	_ =	swait.ge [sflag:s13], $0x10000  }
0x8b: {  	[sflag:s13] =	ssyncset.done $0x0  }
0x8c: {  	s1 =	rddreg [dreg:$0x17];
	[sflag:s13] =	ssyncadd.s32 $0xFFFF0000  }
0x8d: {  	[hbm4b:s1+s2] =	stream.linear.scatter [tilespmem:s2], [sflag:$0x3], $0x10000, $0x38;
	v63 =	vld [tilespmem:$0x0]  }
0x8e: {  	_ =	swait.ge [sflag:s5], $0x10000  }
0x8f: {  	[sflag:s5] =	ssyncset.done $0x0  }
0x90: {  	s1 =	rddreg [dreg:$0x18];
	[sflag:s5] =	ssyncadd.s32 $0xFFFF0000  }
0x91: {  	[tilespmem:s8], [sflag:$0x2] =	stream.linear.gather [hbm4b:s1+s2], $0x10000, $0x38;
	v63 =	vld [tilespmem:$0x0]  }
0x92: {  	_ =	swait.ge [sflag:s10], $0x10000  }
0x93: {  	[sflag:s10] =	ssyncset.done $0x0  }
0x94: {  	s1 =	rddreg [dreg:$0x19];
	[sflag:s10] =	ssyncadd.s32 $0xFFFF0000  }
0x95: {  	[hbm4b:s1+s2] =	stream.linear.scatter [tilespmem:s8], [sflag:$0x4], $0x10000, $0x38;
	v63 =	vld [tilespmem:$0x0]  }
0x96: {  	_ =	swait.ge [sflag:s7], $0x10000  }
0x97: {  	[sflag:s7] =	ssyncset.done $0x0  }
0x98: {  	s1 =	rddreg [dreg:$0x1a];
	[sflag:s7] =	ssyncadd.s32 $0xFFFF0000  }
0x99: {  	[tilespmem:s2], [sflag:$0x1] =	stream.linear.gather [hbm4b:s1+s2], $0x10000, $0x38;
	v63 =	vld [tilespmem:$0x0]  }
0x9a: {  	_ =	swait.ge [sflag:s13], $0x10000  }
0x9b: {  	[sflag:s13] =	ssyncset.done $0x0  }
0x9c: {  	s1 =	rddreg [dreg:$0x1b];
	[sflag:s13] =	ssyncadd.s32 $0xFFFF0000  }
0x9d: {  	[hbm4b:s1+s2] =	stream.linear.scatter [tilespmem:s2], [sflag:$0x3], $0x10000, $0x38;
	v63 =	vld [tilespmem:$0x0]  }
0x9e: {  	_ =	swait.ge [sflag:s5], $0x10000  }
0x9f: {  	[sflag:s5] =	ssyncset.done $0x0  }
0xa0: {  	s1 =	rddreg [dreg:$0x1c];
	[sflag:s5] =	ssyncadd.s32 $0xFFFF0000  }
0xa1: {  	[tilespmem:s8], [sflag:$0x2] =	stream.linear.gather [hbm4b:s1+s2], $0x10000, $0x38;
	v63 =	vld [tilespmem:$0x0]  }
0xa2: {  	_ =	swait.ge [sflag:s10], $0x10000  }
0xa3: {  	[sflag:s10] =	ssyncset.done $0x0  }
0xa4: {  	s1 =	rddreg [dreg:$0x1d];
	[sflag:s10] =	ssyncadd.s32 $0xFFFF0000  }
0xa5: {  	[hbm4b:s1+s2] =	stream.linear.scatter [tilespmem:s8], [sflag:$0x4], $0x10000, $0x38;
	v63 =	vld [tilespmem:$0x0]  }
0xa6: {  	_ =	swait.ge [sflag:s7], $0x10000  }
0xa7: {  	[sflag:s7] =	ssyncset.done $0x0  }
0xa8: {  	s1 =	rddreg [dreg:$0x1e];
	[sflag:s7] =	ssyncadd.s32 $0xFFFF0000  }
0xa9: {  	[tilespmem:s2], [sflag:$0x1] =	stream.linear.gather [hbm4b:s1+s2], $0x10000, $0x38;
	v63 =	vld [tilespmem:$0x0]  }
0xaa: {  	_ =	swait.ge [sflag:s13], $0x10000  }
0xab: {  	[sflag:s13] =	ssyncset.done $0x0  }
0xac: {  	s1 =	rddreg [dreg:$0x1f];
	[sflag:s13] =	ssyncadd.s32 $0xFFFF0000  }
0xad: {  	[hbm4b:s1+s2] =	stream.linear.scatter [tilespmem:s2], [sflag:$0x3], $0x10000, $0x38;
	v63 =	vld [tilespmem:$0x0]  }
0xae: {  	_ =	swait.ge [sflag:s5], $0x10000  }
0xaf: {  	s1 =	sld [smem:$0x7F3]  }
0xb0: {  	[sflag:s5] =	ssyncset.done $0x0  }
0xb1: {  	[sflag:s5] =	ssyncadd.s32 $0xFFFF0000  }
0xb2: {  	[tilespmem:s8], [sflag:$0x2] =	stream.linear.gather [hbm4b:s1+s2], $0x10000, $0x38;
	v63 =	vld [tilespmem:$0x0]  }
0xb3: {  	_ =	swait.ge [sflag:s10], $0x10000  }
0xb4: {  	s1 =	sld [smem:$0x7F4]  }
0xb5: {  	[sflag:s10] =	ssyncset.done $0x0  }
0xb6: {  	[sflag:s10] =	ssyncadd.s32 $0xFFFF0000  }
0xb7: {  	[hbm4b:s1+s2] =	stream.linear.scatter [tilespmem:s8], [sflag:$0x4], $0x10000, $0x38;
	v63 =	vld [tilespmem:$0x0]  }
0xb8: {  	_ =	swait.ge [sflag:s7], $0x10000  }
0xb9: {  	s1 =	sld [smem:$0x7F5]  }
0xba: {  	[sflag:s7] =	ssyncset.done $0x0  }
0xbb: {  	[sflag:s7] =	ssyncadd.s32 $0xFFFF0000  }
0xbc: {  	[tilespmem:s2], [sflag:$0x1] =	stream.linear.gather [hbm4b:s1+s2], $0x10000, $0x38;
	v63 =	vld [tilespmem:$0x0]  }
0xbd: {  	_ =	swait.ge [sflag:s13], $0x10000  }
0xbe: {  	s1 =	sld [smem:$0x7F6]  }
0xbf: {  	[sflag:s13] =	ssyncset.done $0x0  }
0xc0: {  	[sflag:s13] =	ssyncadd.s32 $0xFFFF0000  }
0xc1: {  	[hbm4b:s1+s2] =	stream.linear.scatter [tilespmem:s2], [sflag:$0x3], $0x10000, $0x38;
	v63 =	vld [tilespmem:$0x0]  }
0xc2: {  	_ =	swait.ge [sflag:s5], $0x10000  }
0xc3: {  	s1 =	sld [smem:$0x7F7]  }
0xc4: {  	[sflag:s5] =	ssyncset.done $0x0  }
0xc5: {  	[sflag:s5] =	ssyncadd.s32 $0xFFFF0000  }
0xc6: {  	[tilespmem:s8], [sflag:$0x2] =	stream.linear.gather [hbm4b:s1+s2], $0x10000, $0x38;
	v63 =	vld [tilespmem:$0x0]  }
0xc7: {  	_ =	swait.ge [sflag:s10], $0x10000  }
0xc8: {  	s1 =	sld [smem:$0x7F8]  }
0xc9: {  	[sflag:s10] =	ssyncset.done $0x0  }
0xca: {  	[sflag:s10] =	ssyncadd.s32 $0xFFFF0000  }
0xcb: {  	[hbm4b:s1+s2] =	stream.linear.scatter [tilespmem:s8], [sflag:$0x4], $0x10000, $0x38;
	v63 =	vld [tilespmem:$0x0]  }
0xcc: {  	_ =	swait.ge [sflag:s7], $0x10000  }
0xcd: {  	s1 =	sld [smem:$0x7F9]  }
0xce: {  	[sflag:s7] =	ssyncset.done $0x0  }
0xcf: {  	[sflag:s7] =	ssyncadd.s32 $0xFFFF0000  }
0xd0: {  	[tilespmem:s2], [sflag:$0x1] =	stream.linear.gather [hbm4b:s1+s2], $0x10000, $0x38;
	v63 =	vld [tilespmem:$0x0]  }
0xd1: {  	_ =	swait.ge [sflag:s13], $0x10000  }
0xd2: {  	s1 =	sld [smem:$0x7FA]  }
0xd3: {  	[sflag:s13] =	ssyncset.done $0x0  }
0xd4: {  	[sflag:s13] =	ssyncadd.s32 $0xFFFF0000  }
0xd5: {  	[hbm4b:s1+s2] =	stream.linear.scatter [tilespmem:s2], [sflag:$0x3], $0x10000, $0x38;
	v63 =	vld [tilespmem:$0x0]  }
0xd6: {  	_ =	swait.ge [sflag:s5], $0x10000  }
0xd7: {  	s1 =	sld [smem:$0x7FB]  }
0xd8: {  	[sflag:s5] =	ssyncset.done $0x0  }
0xd9: {  	[sflag:s5] =	ssyncadd.s32 $0xFFFF0000  }
0xda: {  	[tilespmem:s8], [sflag:$0x2] =	stream.linear.gather [hbm4b:s1+s2], $0x10000, $0x38;
	v63 =	vld [tilespmem:$0x0]  }
0xdb: {  	_ =	swait.ge [sflag:s10], $0x10000  }
0xdc: {  	s1 =	sld [smem:$0x7FC]  }
0xdd: {  	[sflag:s10] =	ssyncset.done $0x0  }
0xde: {  	[sflag:s10] =	ssyncadd.s32 $0xFFFF0000  }
0xdf: {  	[hbm4b:s1+s2] =	stream.linear.scatter [tilespmem:s8], [sflag:$0x4], $0x10000, $0x38;
	v63 =	vld [tilespmem:$0x0]  }
0xe0: {  	_ =	swait.ge [sflag:s7], $0x10000  }
0xe1: {  	s1 =	sld [smem:$0x7FD]  }
0xe2: {  	[sflag:s7] =	ssyncset.done $0x0  }
0xe3: {  	[sflag:s7] =	ssyncadd.s32 $0xFFFF0000  }
0xe4: {  	[tilespmem:s2], [sflag:$0x1] =	stream.linear.gather [hbm4b:s1+s2], $0x10000, $0x38;
	v63 =	vld [tilespmem:$0x0]  }
0xe5: {  	_ =	swait.ge [sflag:s13], $0x10000  }
0xe6: {  	[sflag:s13] =	ssyncset.done $0x0  }
0xe7: {  	[sflag:s13] =	ssyncadd.s32 $0xFFFF0000  }
0xe8: {  	[hbm4b:s31+s2] =	stream.linear.scatter [tilespmem:s2], [sflag:$0x3], $0x10000, $0x38;
	v63 =	vld [tilespmem:$0x0]  }
0xe9: {  	_ =	swait.ge [sflag:s5], $0x10000  }
0xea: {  	[sflag:s5] =	ssyncset.done $0x0  }
0xeb: {  	[sflag:s5] =	ssyncadd.s32 $0xFFFF0000  }
0xec: {  	[tilespmem:s8], [sflag:$0x2] =	stream.linear.gather [hbm4b:s30+s2], $0x10000, $0x38;
	v63 =	vld [tilespmem:$0x0]  }
0xed: {  	_ =	swait.ge [sflag:s10], $0x10000  }
0xee: {  	[sflag:s10] =	ssyncset.done $0x0  }
0xef: {  	[sflag:s10] =	ssyncadd.s32 $0xFFFF0000  }
0xf0: {  	[hbm4b:s29+s2] =	stream.linear.scatter [tilespmem:s8], [sflag:$0x4], $0x10000, $0x38;
	v63 =	vld [tilespmem:$0x0]  }
0xf1: {  	_ =	swait.ge [sflag:s7], $0x10000  }
0xf2: {  	[sflag:s7] =	ssyncset.done $0x0  }
0xf3: {  	[sflag:s7] =	ssyncadd.s32 $0xFFFF0000  }
0xf4: {  	[tilespmem:s2], [sflag:$0x1] =	stream.linear.gather [hbm4b:s28+s2], $0x10000, $0x38;
	v63 =	vld [tilespmem:$0x0]  }
0xf5: {  	_ =	swait.ge [sflag:s13], $0x10000  }
0xf6: {  	[sflag:s13] =	ssyncset.done $0x0  }
0xf7: {  	[sflag:s13] =	ssyncadd.s32 $0xFFFF0000  }
0xf8: {  	[hbm4b:s26+s2] =	stream.linear.scatter [tilespmem:s2], [sflag:$0x3], $0x10000, $0x38;
	v63 =	vld [tilespmem:$0x0]  }
0xf9: {  	_ =	swait.ge [sflag:s5], $0x10000  }
0xfa: {  	[sflag:s5] =	ssyncset.done $0x0  }
0xfb: {  	[sflag:s5] =	ssyncadd.s32 $0xFFFF0000  }
0xfc: {  	[tilespmem:s8], [sflag:$0x2] =	stream.linear.gather [hbm4b:s25+s2], $0x10000, $0x38;
	v63 =	vld [tilespmem:$0x0]  }
0xfd: {  	_ =	swait.ge [sflag:s10], $0x10000  }
0xfe: {  	[sflag:s10] =	ssyncset.done $0x0  }
0xff: {  	[sflag:s10] =	ssyncadd.s32 $0xFFFF0000  }
0x100: {  	[hbm4b:s24+s2] =	stream.linear.scatter [tilespmem:s8], [sflag:$0x4], $0x10000, $0x38;
	v63 =	vld [tilespmem:$0x0]  }
0x101: {  	_ =	swait.ge [sflag:s7], $0x10000  }
0x102: {  	[sflag:s7] =	ssyncset.done $0x0  }
0x103: {  	[sflag:s7] =	ssyncadd.s32 $0xFFFF0000  }
0x104: {  	[tilespmem:s2], [sflag:$0x1] =	stream.linear.gather [hbm4b:s23+s2], $0x10000, $0x38;
	v63 =	vld [tilespmem:$0x0]  }
0x105: {  	_ =	swait.ge [sflag:s13], $0x10000  }
0x106: {  	[sflag:s13] =	ssyncset.done $0x0  }
0x107: {  	[sflag:s13] =	ssyncadd.s32 $0xFFFF0000  }
0x108: {  	[hbm4b:s22+s2] =	stream.linear.scatter [tilespmem:s2], [sflag:$0x3], $0x10000, $0x38;
	v63 =	vld [tilespmem:$0x0]  }
0x109: {  	_ =	swait.ge [sflag:s5], $0x10000  }
0x10a: {  	[sflag:s5] =	ssyncset.done $0x0  }
0x10b: {  	[sflag:s5] =	ssyncadd.s32 $0xFFFF0000  }
0x10c: {  	[tilespmem:s8], [sflag:$0x2] =	stream.linear.gather [hbm4b:s21+s2], $0x10000, $0x38;
	v63 =	vld [tilespmem:$0x0]  }
0x10d: {  	_ =	swait.ge [sflag:s10], $0x10000  }
0x10e: {  	[sflag:s10] =	ssyncset.done $0x0  }
0x10f: {  	[sflag:s10] =	ssyncadd.s32 $0xFFFF0000  }
0x110: {  	[hbm4b:s20+s2] =	stream.linear.scatter [tilespmem:s8], [sflag:$0x4], $0x10000, $0x38;
	v63 =	vld [tilespmem:$0x0]  }
0x111: {  	_ =	swait.ge [sflag:s7], $0x10000  }
0x112: {  	[sflag:s7] =	ssyncset.done $0x0  }
0x113: {  	[sflag:s7] =	ssyncadd.s32 $0xFFFF0000  }
0x114: {  	[tilespmem:s2], [sflag:$0x1] =	stream.linear.gather [hbm4b:s19+s2], $0x10000, $0x38;
	v63 =	vld [tilespmem:$0x0]  }
0x115: {  	_ =	swait.ge [sflag:s13], $0x10000  }
0x116: {  	[sflag:s13] =	ssyncset.done $0x0  }
0x117: {  	[sflag:s13] =	ssyncadd.s32 $0xFFFF0000  }
0x118: {  	[hbm4b:s18+s2] =	stream.linear.scatter [tilespmem:s2], [sflag:$0x3], $0x10000, $0x38;
	v63 =	vld [tilespmem:$0x0]  }
0x119: {  	_ =	swait.ge [sflag:s5], $0x10000  }
0x11a: {  	[sflag:s5] =	ssyncset.done $0x0  }
0x11b: {  	[sflag:s5] =	ssyncadd.s32 $0xFFFF0000  }
0x11c: {  	[tilespmem:s8], [sflag:$0x2] =	stream.linear.gather [hbm4b:s17+s2], $0x10000, $0x38;
	v63 =	vld [tilespmem:$0x0]  }
0x11d: {  	_ =	swait.ge [sflag:s10], $0x10000  }
0x11e: {  	[sflag:s10] =	ssyncset.done $0x0  }
0x11f: {  	[sflag:s10] =	ssyncadd.s32 $0xFFFF0000  }
0x120: {  	[hbm4b:s16+s2] =	stream.linear.scatter [tilespmem:s8], [sflag:$0x4], $0x10000, $0x38;
	v63 =	vld [tilespmem:$0x0]  }
0x121: {  	_ =	swait.ge [sflag:s7], $0x10000  }
0x122: {  	[sflag:s7] =	ssyncset.done $0x0  }
0x123: {  	[sflag:s7] =	ssyncadd.s32 $0xFFFF0000  }
0x124: {  	[tilespmem:s2], [sflag:$0x1] =	stream.linear.gather [hbm4b:s15+s2], $0x10000, $0x38;
	v63 =	vld [tilespmem:$0x0]  }
0x125: {  	_ =	swait.ge [sflag:s13], $0x10000  }
0x126: {  	[sflag:s13] =	ssyncset.done $0x0  }
0x127: {  	[sflag:s13] =	ssyncadd.s32 $0xFFFF0000  }
0x128: {  	[hbm4b:s14+s2] =	stream.linear.scatter [tilespmem:s2], [sflag:$0x3], $0x10000, $0x38;
	v63 =	vld [tilespmem:$0x0]  }
0x129: {  	_ =	swait.ge [sflag:s5], $0x10000  }
0x12a: {  	[sflag:s5] =	ssyncset.done $0x0  }
0x12b: {  	[sflag:s5] =	ssyncadd.s32 $0xFFFF0000  }
0x12c: {  	[tilespmem:s8], [sflag:$0x2] =	stream.linear.gather [hbm4b:s12+s2], $0x10000, $0x38;
	v63 =	vld [tilespmem:$0x0]  }
0x12d: {  	_ =	swait.ge [sflag:s10], $0x10000  }
0x12e: {  	[sflag:s10] =	ssyncset.done $0x0  }
0x12f: {  	[sflag:s10] =	ssyncadd.s32 $0xFFFF0000  }
0x130: {  	[hbm4b:s11+s2] =	stream.linear.scatter [tilespmem:s8], [sflag:$0x4], $0x10000, $0x38;
	v63 =	vld [tilespmem:$0x0]  }
0x131: {  	_ =	swait.ge [sflag:s7], $0x10000  }
0x132: {  	[sflag:s7] =	ssyncset.done $0x0  }
0x133: {  	[sflag:s7] =	ssyncadd.s32 $0xFFFF0000  }
0x134: {  	[tilespmem:s2], [sflag:$0x1] =	stream.linear.gather [hbm4b:s9+s2], $0x10000, $0x38;
	v63 =	vld [tilespmem:$0x0]  }
0x135: {  	_ =	swait.ge [sflag:s13], $0x10000  }
0x136: {  	[sflag:s13] =	ssyncset.done $0x0  }
0x137: {  	[sflag:s13] =	ssyncadd.s32 $0xFFFF0000  }
0x138: {  	[hbm4b:s6+s2] =	stream.linear.scatter [tilespmem:s2], [sflag:$0x3], $0x10000, $0x38;
	v63 =	vld [tilespmem:$0x0]  }
0x139: {  	_ =	swait.ge [sflag:s5], $0x10000  }
0x13a: {  	[sflag:s5] =	ssyncset.done $0x0  }
0x13b: {  	[sflag:s5] =	ssyncadd.s32 $0xFFFF0000  }
0x13c: {  	[tilespmem:s8], [sflag:$0x2] =	stream.linear.gather [hbm4b:s4+s2], $0x10000, $0x38;
	v63 =	vld [tilespmem:$0x0]  }
0x13d: {  	_ =	swait.ge [sflag:s10], $0x10000  }
0x13e: {  	[sflag:s10] =	ssyncset.done $0x0  }
0x13f: {  	[sflag:s10] =	ssyncadd.s32 $0xFFFF0000  }
0x140: {  	[hbm4b:s3+s2] =	stream.linear.scatter [tilespmem:s8], [sflag:$0x4], $0x10000, $0x38;
	v63 =	vld [tilespmem:$0x0]  }
0x141: {  	_ =	swait.ge [sflag:s7], $0x10000  }
0x142: {  	s1 =	sld [smem:$0x7F2];
	_ =	sdelay $0x2  }
0x143: {  	p1 =	sne.s32 s1, $0x1  }
.Ltmp1:
0x144: {  	_ = 	snop;
	(pc) =	sbr.rel @!p1 .LBB2_3-.Ltmp1, $4  }
0x145: {  	[sflag:s7] =	ssyncset.done $0x0  }
0x146: {  	[sflag:s7] =	ssyncadd.s32 $0xFFFF0000  }
0x147: {  	p0 =	por $0x1, $0x1;
	_ =	swait.ge [sflag:s5], $0x10000  }
0x148: {  	s0 =	sadd.s32 $0xFFFFFFFF, s1;
	s1 =	rddreg [dreg:$0x2];
	[sflag:s5] =	ssyncset.done $0x0  }
.LBB2_2:
0x149: {  	p1 =	sne.s32 s0, $0x1;
	s8 =	sadd.s32 $0xFFFFFFFF, s0  }
0x14a: {  	[sflag:s5] =	ssyncadd.s32 $0xFFFF0000;
	s5 =	simm.s32 $0x10000;
	s0 =	smov.u32 s31  }
0x14b: {  	s31 =	smov.u32 s30;
	s30 =	smov.u32 s29;
	s29 =	smov.u32 s28  }
0x14c: {  	s28 =	smov.u32 s26;
	s26 =	smov.u32 s25;
	s25 =	smov.u32 s24  }
0x14d: {  	s24 =	smov.u32 s23;
	s23 =	smov.u32 s22;
	s22 =	smov.u32 s21  }
0x14e: {  	s21 =	smov.u32 s20;
	s20 =	smov.u32 s19;
	s19 =	smov.u32 s18  }
0x14f: {  	s18 =	smov.u32 s17;
	s17 =	smov.u32 s16;
	s16 =	smov.u32 s15  }
0x150: {  	[tilespmem:s2], [sflag:$0x1] =	stream.linear.gather [hbm4b:s1+s2], $0x10000, $0x38;
	v63 =	vld [tilespmem:$0x0]  }
0x151: {  	s15 =	smov.u32 s14;
	s14 =	smov.u32 s12;
	_ =	swait.ge [sflag:s13], $0x10000  }
0x152: {  	s12 =	smov.u32 s11;
	s11 =	smov.u32 s9;
	[sflag:s13] =	ssyncset.done $0x0  }
0x153: {  	s9 =	smov.u32 s6;
	s1 =	rddreg [dreg:$0x3];
	[sflag:s13] =	ssyncadd.s32 $0xFFFF0000  }
0x154: {  	[hbm4b:s1+s2] =	stream.linear.scatter [tilespmem:s2], [sflag:$0x3], $0x10000, $0x38;
	v63 =	vld [tilespmem:$0x0]  }
0x155: {  	s6 =	smov.u32 s4;
	s4 =	smov.u32 s3;
	s3 =	rddreg [dreg:$0x4]  }
0x156: {  	[tilespmem:s5], [sflag:$0x2] =	stream.linear.gather [hbm4b:s3+s2], $0x10000, $0x38;
	v63 =	vld [tilespmem:$0x0]  }
0x157: {  	s3 =	smov.u32 s4;
	s4 =	smov.u32 s6  }
0x158: {  	s6 =	smov.u32 s9;
	s9 =	smov.u32 s11;
	s11 =	smov.u32 s12  }
0x159: {  	s12 =	smov.u32 s14;
	s14 =	smov.u32 s15;
	s15 =	smov.u32 s16  }
0x15a: {  	s16 =	smov.u32 s17;
	s17 =	smov.u32 s18;
	s18 =	smov.u32 s19  }
0x15b: {  	s19 =	smov.u32 s20;
	s20 =	smov.u32 s21;
	s21 =	smov.u32 s22  }
0x15c: {  	s22 =	smov.u32 s23;
	s23 =	smov.u32 s24;
	s24 =	smov.u32 s25  }
0x15d: {  	s25 =	smov.u32 s26;
	s26 =	smov.u32 s28;
	s28 =	smov.u32 s29  }
0x15e: {  	s29 =	smov.u32 s30;
	s30 =	smov.u32 s31;
	_ =	swait.ge [sflag:s10], $0x10000  }
0x15f: {  	s31 =	smov.u32 s0;
	s0 =	smov.u32 s8;
	[sflag:s10] =	ssyncset.done $0x0  }
0x160: {  	s8 =	simm.s32 $0x10000;
	s1 =	rddreg [dreg:$0x5];
	[sflag:s10] =	ssyncadd.s32 $0xFFFF0000  }
0x161: {  	[hbm4b:s1+s2] =	stream.linear.scatter [tilespmem:s8], [sflag:$0x4], $0x10000, $0x38;
	v63 =	vld [tilespmem:$0x0]  }
0x162: {  	_ =	swait.ge [sflag:s7], $0x10000  }
0x163: {  	[sflag:s7] =	ssyncset.done $0x0  }
0x164: {  	s1 =	rddreg [dreg:$0x6];
	[sflag:s7] =	ssyncadd.s32 $0xFFFF0000  }
0x165: {  	[tilespmem:s2], [sflag:$0x1] =	stream.linear.gather [hbm4b:s1+s2], $0x10000, $0x38;
	v63 =	vld [tilespmem:$0x0]  }
0x166: {  	_ =	swait.ge [sflag:s13], $0x10000  }
0x167: {  	[sflag:s13] =	ssyncset.done $0x0  }
0x168: {  	s5 =	simm.s32 $0x4;
	s1 =	rddreg [dreg:$0x7];
	[sflag:s13] =	ssyncadd.s32 $0xFFFF0000  }
0x169: {  	[hbm4b:s1+s2] =	stream.linear.scatter [tilespmem:s2], [sflag:$0x3], $0x10000, $0x38;
	v63 =	vld [tilespmem:$0x0]  }
0x16a: {  	_ =	swait.ge [sflag:s5], $0x10000  }
0x16b: {  	[sflag:s5] =	ssyncset.done $0x0  }
0x16c: {  	s1 =	rddreg [dreg:$0x8];
	[sflag:s5] =	ssyncadd.s32 $0xFFFF0000  }
0x16d: {  	[tilespmem:s8], [sflag:$0x2] =	stream.linear.gather [hbm4b:s1+s2], $0x10000, $0x38;
	v63 =	vld [tilespmem:$0x0]  }
0x16e: {  	_ =	swait.ge [sflag:s10], $0x10000  }
0x16f: {  	[sflag:s10] =	ssyncset.done $0x0  }
0x170: {  	s1 =	rddreg [dreg:$0x9];
	[sflag:s10] =	ssyncadd.s32 $0xFFFF0000  }
0x171: {  	[hbm4b:s1+s2] =	stream.linear.scatter [tilespmem:s8], [sflag:$0x4], $0x10000, $0x38;
	v63 =	vld [tilespmem:$0x0]  }
0x172: {  	_ =	swait.ge [sflag:s7], $0x10000  }
0x173: {  	[sflag:s7] =	ssyncset.done $0x0  }
0x174: {  	s1 =	rddreg [dreg:$0xa];
	[sflag:s7] =	ssyncadd.s32 $0xFFFF0000  }
0x175: {  	[tilespmem:s2], [sflag:$0x1] =	stream.linear.gather [hbm4b:s1+s2], $0x10000, $0x38;
	v63 =	vld [tilespmem:$0x0]  }
0x176: {  	_ =	swait.ge [sflag:s13], $0x10000  }
0x177: {  	[sflag:s13] =	ssyncset.done $0x0  }
0x178: {  	s1 =	rddreg [dreg:$0xb];
	[sflag:s13] =	ssyncadd.s32 $0xFFFF0000  }
0x179: {  	[hbm4b:s1+s2] =	stream.linear.scatter [tilespmem:s2], [sflag:$0x3], $0x10000, $0x38;
	v63 =	vld [tilespmem:$0x0]  }
0x17a: {  	_ =	swait.ge [sflag:s5], $0x10000  }
0x17b: {  	[sflag:s5] =	ssyncset.done $0x0  }
0x17c: {  	s1 =	rddreg [dreg:$0xc];
	[sflag:s5] =	ssyncadd.s32 $0xFFFF0000  }
0x17d: {  	[tilespmem:s8], [sflag:$0x2] =	stream.linear.gather [hbm4b:s1+s2], $0x10000, $0x38;
	v63 =	vld [tilespmem:$0x0]  }
0x17e: {  	_ =	swait.ge [sflag:s10], $0x10000  }
0x17f: {  	[sflag:s10] =	ssyncset.done $0x0  }
0x180: {  	s1 =	rddreg [dreg:$0xd];
	[sflag:s10] =	ssyncadd.s32 $0xFFFF0000  }
0x181: {  	[hbm4b:s1+s2] =	stream.linear.scatter [tilespmem:s8], [sflag:$0x4], $0x10000, $0x38;
	v63 =	vld [tilespmem:$0x0]  }
0x182: {  	_ =	swait.ge [sflag:s7], $0x10000  }
0x183: {  	[sflag:s7] =	ssyncset.done $0x0  }
0x184: {  	s1 =	rddreg [dreg:$0xe];
	[sflag:s7] =	ssyncadd.s32 $0xFFFF0000  }
0x185: {  	[tilespmem:s2], [sflag:$0x1] =	stream.linear.gather [hbm4b:s1+s2], $0x10000, $0x38;
	v63 =	vld [tilespmem:$0x0]  }
0x186: {  	_ =	swait.ge [sflag:s13], $0x10000  }
0x187: {  	[sflag:s13] =	ssyncset.done $0x0  }
0x188: {  	s1 =	rddreg [dreg:$0xf];
	[sflag:s13] =	ssyncadd.s32 $0xFFFF0000  }
0x189: {  	[hbm4b:s1+s2] =	stream.linear.scatter [tilespmem:s2], [sflag:$0x3], $0x10000, $0x38;
	v63 =	vld [tilespmem:$0x0]  }
0x18a: {  	_ =	swait.ge [sflag:s5], $0x10000  }
0x18b: {  	[sflag:s5] =	ssyncset.done $0x0  }
0x18c: {  	s1 =	rddreg [dreg:$0x10];
	[sflag:s5] =	ssyncadd.s32 $0xFFFF0000  }
0x18d: {  	[tilespmem:s8], [sflag:$0x2] =	stream.linear.gather [hbm4b:s1+s2], $0x10000, $0x38;
	v63 =	vld [tilespmem:$0x0]  }
0x18e: {  	_ =	swait.ge [sflag:s10], $0x10000  }
0x18f: {  	[sflag:s10] =	ssyncset.done $0x0  }
0x190: {  	s1 =	rddreg [dreg:$0x11];
	[sflag:s10] =	ssyncadd.s32 $0xFFFF0000  }
0x191: {  	[hbm4b:s1+s2] =	stream.linear.scatter [tilespmem:s8], [sflag:$0x4], $0x10000, $0x38;
	v63 =	vld [tilespmem:$0x0]  }
0x192: {  	_ =	swait.ge [sflag:s7], $0x10000  }
0x193: {  	[sflag:s7] =	ssyncset.done $0x0  }
0x194: {  	s1 =	rddreg [dreg:$0x12];
	[sflag:s7] =	ssyncadd.s32 $0xFFFF0000  }
0x195: {  	[tilespmem:s2], [sflag:$0x1] =	stream.linear.gather [hbm4b:s1+s2], $0x10000, $0x38;
	v63 =	vld [tilespmem:$0x0]  }
0x196: {  	_ =	swait.ge [sflag:s13], $0x10000  }
0x197: {  	[sflag:s13] =	ssyncset.done $0x0  }
0x198: {  	s1 =	rddreg [dreg:$0x13];
	[sflag:s13] =	ssyncadd.s32 $0xFFFF0000  }
0x199: {  	[hbm4b:s1+s2] =	stream.linear.scatter [tilespmem:s2], [sflag:$0x3], $0x10000, $0x38;
	v63 =	vld [tilespmem:$0x0]  }
0x19a: {  	_ =	swait.ge [sflag:s5], $0x10000  }
0x19b: {  	[sflag:s5] =	ssyncset.done $0x0  }
0x19c: {  	s1 =	rddreg [dreg:$0x14];
	[sflag:s5] =	ssyncadd.s32 $0xFFFF0000  }
0x19d: {  	[tilespmem:s8], [sflag:$0x2] =	stream.linear.gather [hbm4b:s1+s2], $0x10000, $0x38;
	v63 =	vld [tilespmem:$0x0]  }
0x19e: {  	_ =	swait.ge [sflag:s10], $0x10000  }
0x19f: {  	[sflag:s10] =	ssyncset.done $0x0  }
0x1a0: {  	s1 =	rddreg [dreg:$0x15];
	[sflag:s10] =	ssyncadd.s32 $0xFFFF0000  }
0x1a1: {  	[hbm4b:s1+s2] =	stream.linear.scatter [tilespmem:s8], [sflag:$0x4], $0x10000, $0x38;
	v63 =	vld [tilespmem:$0x0]  }
0x1a2: {  	_ =	swait.ge [sflag:s7], $0x10000  }
0x1a3: {  	[sflag:s7] =	ssyncset.done $0x0  }
0x1a4: {  	s1 =	rddreg [dreg:$0x16];
	[sflag:s7] =	ssyncadd.s32 $0xFFFF0000  }
0x1a5: {  	[tilespmem:s2], [sflag:$0x1] =	stream.linear.gather [hbm4b:s1+s2], $0x10000, $0x38;
	v63 =	vld [tilespmem:$0x0]  }
0x1a6: {  	_ =	swait.ge [sflag:s13], $0x10000  }
0x1a7: {  	[sflag:s13] =	ssyncset.done $0x0  }
0x1a8: {  	s1 =	rddreg [dreg:$0x17];
	[sflag:s13] =	ssyncadd.s32 $0xFFFF0000  }
0x1a9: {  	[hbm4b:s1+s2] =	stream.linear.scatter [tilespmem:s2], [sflag:$0x3], $0x10000, $0x38;
	v63 =	vld [tilespmem:$0x0]  }
0x1aa: {  	_ =	swait.ge [sflag:s5], $0x10000  }
0x1ab: {  	[sflag:s5] =	ssyncset.done $0x0  }
0x1ac: {  	s1 =	rddreg [dreg:$0x18];
	[sflag:s5] =	ssyncadd.s32 $0xFFFF0000  }
0x1ad: {  	[tilespmem:s8], [sflag:$0x2] =	stream.linear.gather [hbm4b:s1+s2], $0x10000, $0x38;
	v63 =	vld [tilespmem:$0x0]  }
0x1ae: {  	_ =	swait.ge [sflag:s10], $0x10000  }
0x1af: {  	[sflag:s10] =	ssyncset.done $0x0  }
0x1b0: {  	s1 =	rddreg [dreg:$0x19];
	[sflag:s10] =	ssyncadd.s32 $0xFFFF0000  }
0x1b1: {  	[hbm4b:s1+s2] =	stream.linear.scatter [tilespmem:s8], [sflag:$0x4], $0x10000, $0x38;
	v63 =	vld [tilespmem:$0x0]  }
0x1b2: {  	_ =	swait.ge [sflag:s7], $0x10000  }
0x1b3: {  	[sflag:s7] =	ssyncset.done $0x0  }
0x1b4: {  	s1 =	rddreg [dreg:$0x1a];
	[sflag:s7] =	ssyncadd.s32 $0xFFFF0000  }
0x1b5: {  	[tilespmem:s2], [sflag:$0x1] =	stream.linear.gather [hbm4b:s1+s2], $0x10000, $0x38;
	v63 =	vld [tilespmem:$0x0]  }
0x1b6: {  	_ =	swait.ge [sflag:s13], $0x10000  }
0x1b7: {  	[sflag:s13] =	ssyncset.done $0x0  }
0x1b8: {  	s1 =	rddreg [dreg:$0x1b];
	[sflag:s13] =	ssyncadd.s32 $0xFFFF0000  }
0x1b9: {  	[hbm4b:s1+s2] =	stream.linear.scatter [tilespmem:s2], [sflag:$0x3], $0x10000, $0x38;
	v63 =	vld [tilespmem:$0x0]  }
0x1ba: {  	_ =	swait.ge [sflag:s5], $0x10000  }
0x1bb: {  	[sflag:s5] =	ssyncset.done $0x0  }
0x1bc: {  	s1 =	rddreg [dreg:$0x1c];
	[sflag:s5] =	ssyncadd.s32 $0xFFFF0000  }
0x1bd: {  	[tilespmem:s8], [sflag:$0x2] =	stream.linear.gather [hbm4b:s1+s2], $0x10000, $0x38;
	v63 =	vld [tilespmem:$0x0]  }
0x1be: {  	_ =	swait.ge [sflag:s10], $0x10000  }
0x1bf: {  	[sflag:s10] =	ssyncset.done $0x0  }
0x1c0: {  	s1 =	rddreg [dreg:$0x1d];
	[sflag:s10] =	ssyncadd.s32 $0xFFFF0000  }
0x1c1: {  	[hbm4b:s1+s2] =	stream.linear.scatter [tilespmem:s8], [sflag:$0x4], $0x10000, $0x38;
	v63 =	vld [tilespmem:$0x0]  }
0x1c2: {  	_ =	swait.ge [sflag:s7], $0x10000  }
0x1c3: {  	[sflag:s7] =	ssyncset.done $0x0  }
0x1c4: {  	s1 =	rddreg [dreg:$0x1e];
	[sflag:s7] =	ssyncadd.s32 $0xFFFF0000  }
0x1c5: {  	[tilespmem:s2], [sflag:$0x1] =	stream.linear.gather [hbm4b:s1+s2], $0x10000, $0x38;
	v63 =	vld [tilespmem:$0x0]  }
0x1c6: {  	_ =	swait.ge [sflag:s13], $0x10000  }
0x1c7: {  	[sflag:s13] =	ssyncset.done $0x0  }
0x1c8: {  	s1 =	rddreg [dreg:$0x1f];
	[sflag:s13] =	ssyncadd.s32 $0xFFFF0000  }
0x1c9: {  	[hbm4b:s1+s2] =	stream.linear.scatter [tilespmem:s2], [sflag:$0x3], $0x10000, $0x38;
	v63 =	vld [tilespmem:$0x0]  }
0x1ca: {  	_ =	swait.ge [sflag:s5], $0x10000  }
0x1cb: {  	s1 =	sld [smem:$0x7F3]  }
0x1cc: {  	[sflag:s5] =	ssyncset.done $0x0  }
0x1cd: {  	[sflag:s5] =	ssyncadd.s32 $0xFFFF0000  }
0x1ce: {  	[tilespmem:s8], [sflag:$0x2] =	stream.linear.gather [hbm4b:s1+s2], $0x10000, $0x38;
	v63 =	vld [tilespmem:$0x0]  }
0x1cf: {  	_ =	swait.ge [sflag:s10], $0x10000  }
0x1d0: {  	s1 =	sld [smem:$0x7F4]  }
0x1d1: {  	[sflag:s10] =	ssyncset.done $0x0  }
0x1d2: {  	[sflag:s10] =	ssyncadd.s32 $0xFFFF0000  }
0x1d3: {  	[hbm4b:s1+s2] =	stream.linear.scatter [tilespmem:s8], [sflag:$0x4], $0x10000, $0x38;
	v63 =	vld [tilespmem:$0x0]  }
0x1d4: {  	_ =	swait.ge [sflag:s7], $0x10000  }
0x1d5: {  	s1 =	sld [smem:$0x7F5]  }
0x1d6: {  	[sflag:s7] =	ssyncset.done $0x0  }
0x1d7: {  	[sflag:s7] =	ssyncadd.s32 $0xFFFF0000  }
0x1d8: {  	[tilespmem:s2], [sflag:$0x1] =	stream.linear.gather [hbm4b:s1+s2], $0x10000, $0x38;
	v63 =	vld [tilespmem:$0x0]  }
0x1d9: {  	_ =	swait.ge [sflag:s13], $0x10000  }
0x1da: {  	s1 =	sld [smem:$0x7F6]  }
0x1db: {  	[sflag:s13] =	ssyncset.done $0x0  }
0x1dc: {  	[sflag:s13] =	ssyncadd.s32 $0xFFFF0000  }
0x1dd: {  	[hbm4b:s1+s2] =	stream.linear.scatter [tilespmem:s2], [sflag:$0x3], $0x10000, $0x38;
	v63 =	vld [tilespmem:$0x0]  }
0x1de: {  	_ =	swait.ge [sflag:s5], $0x10000  }
0x1df: {  	s1 =	sld [smem:$0x7F7]  }
0x1e0: {  	[sflag:s5] =	ssyncset.done $0x0  }
0x1e1: {  	[sflag:s5] =	ssyncadd.s32 $0xFFFF0000  }
0x1e2: {  	[tilespmem:s8], [sflag:$0x2] =	stream.linear.gather [hbm4b:s1+s2], $0x10000, $0x38;
	v63 =	vld [tilespmem:$0x0]  }
0x1e3: {  	_ =	swait.ge [sflag:s10], $0x10000  }
0x1e4: {  	s1 =	sld [smem:$0x7F8]  }
0x1e5: {  	[sflag:s10] =	ssyncset.done $0x0  }
0x1e6: {  	[sflag:s10] =	ssyncadd.s32 $0xFFFF0000  }
0x1e7: {  	[hbm4b:s1+s2] =	stream.linear.scatter [tilespmem:s8], [sflag:$0x4], $0x10000, $0x38;
	v63 =	vld [tilespmem:$0x0]  }
0x1e8: {  	_ =	swait.ge [sflag:s7], $0x10000  }
0x1e9: {  	s1 =	sld [smem:$0x7F9]  }
0x1ea: {  	[sflag:s7] =	ssyncset.done $0x0  }
0x1eb: {  	[sflag:s7] =	ssyncadd.s32 $0xFFFF0000  }
0x1ec: {  	[tilespmem:s2], [sflag:$0x1] =	stream.linear.gather [hbm4b:s1+s2], $0x10000, $0x38;
	v63 =	vld [tilespmem:$0x0]  }
0x1ed: {  	_ =	swait.ge [sflag:s13], $0x10000  }
0x1ee: {  	s1 =	sld [smem:$0x7FA]  }
0x1ef: {  	[sflag:s13] =	ssyncset.done $0x0  }
0x1f0: {  	[sflag:s13] =	ssyncadd.s32 $0xFFFF0000  }
0x1f1: {  	[hbm4b:s1+s2] =	stream.linear.scatter [tilespmem:s2], [sflag:$0x3], $0x10000, $0x38;
	v63 =	vld [tilespmem:$0x0]  }
0x1f2: {  	_ =	swait.ge [sflag:s5], $0x10000  }
0x1f3: {  	s1 =	sld [smem:$0x7FB]  }
0x1f4: {  	[sflag:s5] =	ssyncset.done $0x0  }
0x1f5: {  	[sflag:s5] =	ssyncadd.s32 $0xFFFF0000  }
0x1f6: {  	[tilespmem:s8], [sflag:$0x2] =	stream.linear.gather [hbm4b:s1+s2], $0x10000, $0x38;
	v63 =	vld [tilespmem:$0x0]  }
0x1f7: {  	_ =	swait.ge [sflag:s10], $0x10000  }
0x1f8: {  	s1 =	sld [smem:$0x7FC]  }
0x1f9: {  	[sflag:s10] =	ssyncset.done $0x0  }
0x1fa: {  	[sflag:s10] =	ssyncadd.s32 $0xFFFF0000  }
0x1fb: {  	[hbm4b:s1+s2] =	stream.linear.scatter [tilespmem:s8], [sflag:$0x4], $0x10000, $0x38;
	v63 =	vld [tilespmem:$0x0]  }
0x1fc: {  	_ =	swait.ge [sflag:s7], $0x10000  }
0x1fd: {  	s1 =	sld [smem:$0x7FD]  }
0x1fe: {  	[sflag:s7] =	ssyncset.done $0x0  }
0x1ff: {  	[sflag:s7] =	ssyncadd.s32 $0xFFFF0000  }
0x200: {  	[tilespmem:s2], [sflag:$0x1] =	stream.linear.gather [hbm4b:s1+s2], $0x10000, $0x38;
	v63 =	vld [tilespmem:$0x0]  }
0x201: {  	_ =	swait.ge [sflag:s13], $0x10000  }
0x202: {  	[sflag:s13] =	ssyncset.done $0x0  }
0x203: {  	[sflag:s13] =	ssyncadd.s32 $0xFFFF0000  }
0x204: {  	[hbm4b:s31+s2] =	stream.linear.scatter [tilespmem:s2], [sflag:$0x3], $0x10000, $0x38;
	v63 =	vld [tilespmem:$0x0]  }
0x205: {  	_ =	swait.ge [sflag:s5], $0x10000  }
0x206: {  	[sflag:s5] =	ssyncset.done $0x0  }
0x207: {  	[sflag:s5] =	ssyncadd.s32 $0xFFFF0000  }
0x208: {  	[tilespmem:s8], [sflag:$0x2] =	stream.linear.gather [hbm4b:s30+s2], $0x10000, $0x38;
	v63 =	vld [tilespmem:$0x0]  }
0x209: {  	_ =	swait.ge [sflag:s10], $0x10000  }
0x20a: {  	[sflag:s10] =	ssyncset.done $0x0  }
0x20b: {  	[sflag:s10] =	ssyncadd.s32 $0xFFFF0000  }
0x20c: {  	[hbm4b:s29+s2] =	stream.linear.scatter [tilespmem:s8], [sflag:$0x4], $0x10000, $0x38;
	v63 =	vld [tilespmem:$0x0]  }
0x20d: {  	_ =	swait.ge [sflag:s7], $0x10000  }
0x20e: {  	[sflag:s7] =	ssyncset.done $0x0  }
0x20f: {  	[sflag:s7] =	ssyncadd.s32 $0xFFFF0000  }
0x210: {  	[tilespmem:s2], [sflag:$0x1] =	stream.linear.gather [hbm4b:s28+s2], $0x10000, $0x38;
	v63 =	vld [tilespmem:$0x0]  }
0x211: {  	_ =	swait.ge [sflag:s13], $0x10000  }
0x212: {  	[sflag:s13] =	ssyncset.done $0x0  }
0x213: {  	[sflag:s13] =	ssyncadd.s32 $0xFFFF0000  }
0x214: {  	[hbm4b:s26+s2] =	stream.linear.scatter [tilespmem:s2], [sflag:$0x3], $0x10000, $0x38;
	v63 =	vld [tilespmem:$0x0]  }
0x215: {  	_ =	swait.ge [sflag:s5], $0x10000  }
0x216: {  	[sflag:s5] =	ssyncset.done $0x0  }
0x217: {  	[sflag:s5] =	ssyncadd.s32 $0xFFFF0000  }
0x218: {  	[tilespmem:s8], [sflag:$0x2] =	stream.linear.gather [hbm4b:s25+s2], $0x10000, $0x38;
	v63 =	vld [tilespmem:$0x0]  }
0x219: {  	_ =	swait.ge [sflag:s10], $0x10000  }
0x21a: {  	[sflag:s10] =	ssyncset.done $0x0  }
0x21b: {  	[sflag:s10] =	ssyncadd.s32 $0xFFFF0000  }
0x21c: {  	[hbm4b:s24+s2] =	stream.linear.scatter [tilespmem:s8], [sflag:$0x4], $0x10000, $0x38;
	v63 =	vld [tilespmem:$0x0]  }
0x21d: {  	_ =	swait.ge [sflag:s7], $0x10000  }
0x21e: {  	[sflag:s7] =	ssyncset.done $0x0  }
0x21f: {  	[sflag:s7] =	ssyncadd.s32 $0xFFFF0000  }
0x220: {  	[tilespmem:s2], [sflag:$0x1] =	stream.linear.gather [hbm4b:s23+s2], $0x10000, $0x38;
	v63 =	vld [tilespmem:$0x0]  }
0x221: {  	_ =	swait.ge [sflag:s13], $0x10000  }
0x222: {  	[sflag:s13] =	ssyncset.done $0x0  }
0x223: {  	[sflag:s13] =	ssyncadd.s32 $0xFFFF0000  }
0x224: {  	[hbm4b:s22+s2] =	stream.linear.scatter [tilespmem:s2], [sflag:$0x3], $0x10000, $0x38;
	v63 =	vld [tilespmem:$0x0]  }
0x225: {  	_ =	swait.ge [sflag:s5], $0x10000  }
0x226: {  	[sflag:s5] =	ssyncset.done $0x0  }
0x227: {  	[sflag:s5] =	ssyncadd.s32 $0xFFFF0000  }
0x228: {  	[tilespmem:s8], [sflag:$0x2] =	stream.linear.gather [hbm4b:s21+s2], $0x10000, $0x38;
	v63 =	vld [tilespmem:$0x0]  }
0x229: {  	_ =	swait.ge [sflag:s10], $0x10000  }
0x22a: {  	[sflag:s10] =	ssyncset.done $0x0  }
0x22b: {  	[sflag:s10] =	ssyncadd.s32 $0xFFFF0000  }
0x22c: {  	[hbm4b:s20+s2] =	stream.linear.scatter [tilespmem:s8], [sflag:$0x4], $0x10000, $0x38;
	v63 =	vld [tilespmem:$0x0]  }
0x22d: {  	_ =	swait.ge [sflag:s7], $0x10000  }
0x22e: {  	[sflag:s7] =	ssyncset.done $0x0  }
0x22f: {  	[sflag:s7] =	ssyncadd.s32 $0xFFFF0000  }
0x230: {  	[tilespmem:s2], [sflag:$0x1] =	stream.linear.gather [hbm4b:s19+s2], $0x10000, $0x38;
	v63 =	vld [tilespmem:$0x0]  }
0x231: {  	_ =	swait.ge [sflag:s13], $0x10000  }
0x232: {  	[sflag:s13] =	ssyncset.done $0x0  }
0x233: {  	[sflag:s13] =	ssyncadd.s32 $0xFFFF0000  }
0x234: {  	[hbm4b:s18+s2] =	stream.linear.scatter [tilespmem:s2], [sflag:$0x3], $0x10000, $0x38;
	v63 =	vld [tilespmem:$0x0]  }
0x235: {  	_ =	swait.ge [sflag:s5], $0x10000  }
0x236: {  	[sflag:s5] =	ssyncset.done $0x0  }
0x237: {  	[sflag:s5] =	ssyncadd.s32 $0xFFFF0000  }
0x238: {  	[tilespmem:s8], [sflag:$0x2] =	stream.linear.gather [hbm4b:s17+s2], $0x10000, $0x38;
	v63 =	vld [tilespmem:$0x0]  }
0x239: {  	_ =	swait.ge [sflag:s10], $0x10000  }
0x23a: {  	[sflag:s10] =	ssyncset.done $0x0  }
0x23b: {  	[sflag:s10] =	ssyncadd.s32 $0xFFFF0000  }
0x23c: {  	[hbm4b:s16+s2] =	stream.linear.scatter [tilespmem:s8], [sflag:$0x4], $0x10000, $0x38;
	v63 =	vld [tilespmem:$0x0]  }
0x23d: {  	_ =	swait.ge [sflag:s7], $0x10000  }
0x23e: {  	[sflag:s7] =	ssyncset.done $0x0  }
0x23f: {  	[sflag:s7] =	ssyncadd.s32 $0xFFFF0000  }
0x240: {  	[tilespmem:s2], [sflag:$0x1] =	stream.linear.gather [hbm4b:s15+s2], $0x10000, $0x38;
	v63 =	vld [tilespmem:$0x0]  }
0x241: {  	_ =	swait.ge [sflag:s13], $0x10000  }
0x242: {  	[sflag:s13] =	ssyncset.done $0x0  }
0x243: {  	[sflag:s13] =	ssyncadd.s32 $0xFFFF0000  }
0x244: {  	[hbm4b:s14+s2] =	stream.linear.scatter [tilespmem:s2], [sflag:$0x3], $0x10000, $0x38;
	v63 =	vld [tilespmem:$0x0]  }
0x245: {  	_ =	swait.ge [sflag:s5], $0x10000  }
0x246: {  	[sflag:s5] =	ssyncset.done $0x0  }
0x247: {  	[sflag:s5] =	ssyncadd.s32 $0xFFFF0000  }
0x248: {  	[tilespmem:s8], [sflag:$0x2] =	stream.linear.gather [hbm4b:s12+s2], $0x10000, $0x38;
	v63 =	vld [tilespmem:$0x0]  }
0x249: {  	_ =	swait.ge [sflag:s10], $0x10000  }
0x24a: {  	[sflag:s10] =	ssyncset.done $0x0  }
0x24b: {  	[sflag:s10] =	ssyncadd.s32 $0xFFFF0000  }
0x24c: {  	[hbm4b:s11+s2] =	stream.linear.scatter [tilespmem:s8], [sflag:$0x4], $0x10000, $0x38;
	v63 =	vld [tilespmem:$0x0]  }
0x24d: {  	_ =	swait.ge [sflag:s7], $0x10000  }
0x24e: {  	[sflag:s7] =	ssyncset.done $0x0  }
0x24f: {  	[sflag:s7] =	ssyncadd.s32 $0xFFFF0000  }
0x250: {  	[tilespmem:s2], [sflag:$0x1] =	stream.linear.gather [hbm4b:s9+s2], $0x10000, $0x38;
	v63 =	vld [tilespmem:$0x0]  }
0x251: {  	_ =	swait.ge [sflag:s13], $0x10000  }
0x252: {  	[sflag:s13] =	ssyncset.done $0x0  }
0x253: {  	[sflag:s13] =	ssyncadd.s32 $0xFFFF0000  }
0x254: {  	[hbm4b:s6+s2] =	stream.linear.scatter [tilespmem:s2], [sflag:$0x3], $0x10000, $0x38;
	v63 =	vld [tilespmem:$0x0]  }
0x255: {  	_ =	swait.ge [sflag:s5], $0x10000  }
0x256: {  	[sflag:s5] =	ssyncset.done $0x0  }
0x257: {  	[sflag:s5] =	ssyncadd.s32 $0xFFFF0000  }
0x258: {  	[tilespmem:s8], [sflag:$0x2] =	stream.linear.gather [hbm4b:s4+s2], $0x10000, $0x38;
	v63 =	vld [tilespmem:$0x0]  }
0x259: {  	_ =	swait.ge [sflag:s10], $0x10000  }
0x25a: {  	[sflag:s10] =	ssyncset.done $0x0  }
0x25b: {  	[sflag:s10] =	ssyncadd.s32 $0xFFFF0000  }
0x25c: {  	[hbm4b:s3+s2] =	stream.linear.scatter [tilespmem:s8], [sflag:$0x4], $0x10000, $0x38;
	v63 =	vld [tilespmem:$0x0]  }
.Ltmp2:
0x25d: {  	_ =	swait.ge [sflag:s7], $0x10000;
	(pc) =	sbr.rel @p1 .LBB2_2-.Ltmp2, $4  }
0x25e: {  	[sflag:s7] =	ssyncset.done $0x0  }
0x25f: {  	[sflag:s7] =	ssyncadd.s32 $0xFFFF0000  }
0x260: {  	_ =	swait.ge [sflag:s5], $0x10000  }
0x261: {  	s1 =	rddreg [dreg:$0x2];
	[sflag:s5] =	ssyncset.done $0x0  }
.LBB2_3:
0x262: {  	[sflag:s5] =	ssyncadd.s32 @p0 $0xFFFF0000  }
0x263: {  	[tilespmem:s2], [sflag:$0x1] =	stream.linear.gather [hbm4b:s1+s2], $0x10000, $0x38;
	v63 =	vld [tilespmem:$0x0]  }
0x264: {  	_ =	swait.ge [sflag:s13], $0x10000  }
0x265: {  	[sflag:s13] =	ssyncset.done $0x0  }
0x266: {  	s0 =	rddreg [dreg:$0x3];
	[sflag:s13] =	ssyncadd.s32 $0xFFFF0000  }
0x267: {  	[hbm4b:s0+s2] =	stream.linear.scatter [tilespmem:s2], [sflag:$0x3], $0x10000, $0x38;
	v63 =	vld [tilespmem:$0x0]  }
0x268: {  	s1 =	rddreg [dreg:$0x4]  }
0x269: {  	[tilespmem:s8], [sflag:$0x2] =	stream.linear.gather [hbm4b:s1+s2], $0x10000, $0x38;
	v63 =	vld [tilespmem:$0x0]  }
0x26a: {  	_ =	swait.ge [sflag:s10], $0x10000  }
0x26b: {  	[sflag:s10] =	ssyncset.done $0x0  }
0x26c: {  	s1 =	rddreg [dreg:$0x5];
	[sflag:s10] =	ssyncadd.s32 $0xFFFF0000  }
0x26d: {  	[hbm4b:s1+s2] =	stream.linear.scatter [tilespmem:s8], [sflag:$0x4], $0x10000, $0x38;
	v63 =	vld [tilespmem:$0x0]  }
0x26e: {  	_ =	swait.ge [sflag:s7], $0x10000  }
0x26f: {  	[sflag:s7] =	ssyncset.done $0x0  }
0x270: {  	s1 =	rddreg [dreg:$0x6];
	[sflag:s7] =	ssyncadd.s32 $0xFFFF0000  }
0x271: {  	[tilespmem:s2], [sflag:$0x1] =	stream.linear.gather [hbm4b:s1+s2], $0x10000, $0x38;
	v63 =	vld [tilespmem:$0x0]  }
0x272: {  	_ =	swait.ge [sflag:s13], $0x10000  }
0x273: {  	[sflag:s13] =	ssyncset.done $0x0  }
0x274: {  	s1 =	rddreg [dreg:$0x7];
	[sflag:s13] =	ssyncadd.s32 $0xFFFF0000  }
0x275: {  	[hbm4b:s1+s2] =	stream.linear.scatter [tilespmem:s2], [sflag:$0x3], $0x10000, $0x38;
	v63 =	vld [tilespmem:$0x0]  }
0x276: {  	_ =	swait.ge [sflag:s5], $0x10000  }
0x277: {  	[sflag:s5] =	ssyncset.done $0x0  }
0x278: {  	s1 =	rddreg [dreg:$0x8];
	[sflag:s5] =	ssyncadd.s32 $0xFFFF0000  }
0x279: {  	[tilespmem:s8], [sflag:$0x2] =	stream.linear.gather [hbm4b:s1+s2], $0x10000, $0x38;
	v63 =	vld [tilespmem:$0x0]  }
0x27a: {  	_ =	swait.ge [sflag:s10], $0x10000  }
0x27b: {  	[sflag:s10] =	ssyncset.done $0x0  }
0x27c: {  	s1 =	rddreg [dreg:$0x9];
	[sflag:s10] =	ssyncadd.s32 $0xFFFF0000  }
0x27d: {  	[hbm4b:s1+s2] =	stream.linear.scatter [tilespmem:s8], [sflag:$0x4], $0x10000, $0x38;
	v63 =	vld [tilespmem:$0x0]  }
0x27e: {  	_ =	swait.ge [sflag:s7], $0x10000  }
0x27f: {  	[sflag:s7] =	ssyncset.done $0x0  }
0x280: {  	s1 =	rddreg [dreg:$0xa];
	[sflag:s7] =	ssyncadd.s32 $0xFFFF0000  }
0x281: {  	[tilespmem:s2], [sflag:$0x1] =	stream.linear.gather [hbm4b:s1+s2], $0x10000, $0x38;
	v63 =	vld [tilespmem:$0x0]  }
0x282: {  	_ =	swait.ge [sflag:s13], $0x10000  }
0x283: {  	[sflag:s13] =	ssyncset.done $0x0  }
0x284: {  	s1 =	rddreg [dreg:$0xb];
	[sflag:s13] =	ssyncadd.s32 $0xFFFF0000  }
0x285: {  	[hbm4b:s1+s2] =	stream.linear.scatter [tilespmem:s2], [sflag:$0x3], $0x10000, $0x38;
	v63 =	vld [tilespmem:$0x0]  }
0x286: {  	_ =	swait.ge [sflag:s5], $0x10000  }
0x287: {  	[sflag:s5] =	ssyncset.done $0x0  }
0x288: {  	s1 =	rddreg [dreg:$0xc];
	[sflag:s5] =	ssyncadd.s32 $0xFFFF0000  }
0x289: {  	[tilespmem:s8], [sflag:$0x2] =	stream.linear.gather [hbm4b:s1+s2], $0x10000, $0x38;
	v63 =	vld [tilespmem:$0x0]  }
0x28a: {  	_ =	swait.ge [sflag:s10], $0x10000  }
0x28b: {  	[sflag:s10] =	ssyncset.done $0x0  }
0x28c: {  	s1 =	rddreg [dreg:$0xd];
	[sflag:s10] =	ssyncadd.s32 $0xFFFF0000  }
0x28d: {  	[hbm4b:s1+s2] =	stream.linear.scatter [tilespmem:s8], [sflag:$0x4], $0x10000, $0x38;
	v63 =	vld [tilespmem:$0x0]  }
0x28e: {  	_ =	swait.ge [sflag:s7], $0x10000  }
0x28f: {  	[sflag:s7] =	ssyncset.done $0x0  }
0x290: {  	s1 =	rddreg [dreg:$0xe];
	[sflag:s7] =	ssyncadd.s32 $0xFFFF0000  }
0x291: {  	[tilespmem:s2], [sflag:$0x1] =	stream.linear.gather [hbm4b:s1+s2], $0x10000, $0x38;
	v63 =	vld [tilespmem:$0x0]  }
0x292: {  	_ =	swait.ge [sflag:s13], $0x10000  }
0x293: {  	[sflag:s13] =	ssyncset.done $0x0  }
0x294: {  	s1 =	rddreg [dreg:$0xf];
	[sflag:s13] =	ssyncadd.s32 $0xFFFF0000  }
0x295: {  	[hbm4b:s1+s2] =	stream.linear.scatter [tilespmem:s2], [sflag:$0x3], $0x10000, $0x38;
	v63 =	vld [tilespmem:$0x0]  }
0x296: {  	_ =	swait.ge [sflag:s5], $0x10000  }
0x297: {  	[sflag:s5] =	ssyncset.done $0x0  }
0x298: {  	s1 =	rddreg [dreg:$0x10];
	[sflag:s5] =	ssyncadd.s32 $0xFFFF0000  }
0x299: {  	[tilespmem:s8], [sflag:$0x2] =	stream.linear.gather [hbm4b:s1+s2], $0x10000, $0x38;
	v63 =	vld [tilespmem:$0x0]  }
0x29a: {  	_ =	swait.ge [sflag:s10], $0x10000  }
0x29b: {  	[sflag:s10] =	ssyncset.done $0x0  }
0x29c: {  	s1 =	rddreg [dreg:$0x11];
	[sflag:s10] =	ssyncadd.s32 $0xFFFF0000  }
0x29d: {  	[hbm4b:s1+s2] =	stream.linear.scatter [tilespmem:s8], [sflag:$0x4], $0x10000, $0x38;
	v63 =	vld [tilespmem:$0x0]  }
0x29e: {  	_ =	swait.ge [sflag:s7], $0x10000  }
0x29f: {  	[sflag:s7] =	ssyncset.done $0x0  }
0x2a0: {  	s1 =	rddreg [dreg:$0x12];
	[sflag:s7] =	ssyncadd.s32 $0xFFFF0000  }
0x2a1: {  	[tilespmem:s2], [sflag:$0x1] =	stream.linear.gather [hbm4b:s1+s2], $0x10000, $0x38;
	v63 =	vld [tilespmem:$0x0]  }
0x2a2: {  	_ =	swait.ge [sflag:s13], $0x10000  }
0x2a3: {  	[sflag:s13] =	ssyncset.done $0x0  }
0x2a4: {  	s1 =	rddreg [dreg:$0x13];
	[sflag:s13] =	ssyncadd.s32 $0xFFFF0000  }
0x2a5: {  	[hbm4b:s1+s2] =	stream.linear.scatter [tilespmem:s2], [sflag:$0x3], $0x10000, $0x38;
	v63 =	vld [tilespmem:$0x0]  }
0x2a6: {  	_ =	swait.ge [sflag:s5], $0x10000  }
0x2a7: {  	[sflag:s5] =	ssyncset.done $0x0  }
0x2a8: {  	s1 =	rddreg [dreg:$0x14];
	[sflag:s5] =	ssyncadd.s32 $0xFFFF0000  }
0x2a9: {  	[tilespmem:s8], [sflag:$0x2] =	stream.linear.gather [hbm4b:s1+s2], $0x10000, $0x38;
	v63 =	vld [tilespmem:$0x0]  }
0x2aa: {  	_ =	swait.ge [sflag:s10], $0x10000  }
0x2ab: {  	[sflag:s10] =	ssyncset.done $0x0  }
0x2ac: {  	s1 =	rddreg [dreg:$0x15];
	[sflag:s10] =	ssyncadd.s32 $0xFFFF0000  }
0x2ad: {  	[hbm4b:s1+s2] =	stream.linear.scatter [tilespmem:s8], [sflag:$0x4], $0x10000, $0x38;
	v63 =	vld [tilespmem:$0x0]  }
0x2ae: {  	_ =	swait.ge [sflag:s7], $0x10000  }
0x2af: {  	[sflag:s7] =	ssyncset.done $0x0  }
0x2b0: {  	s1 =	rddreg [dreg:$0x16];
	[sflag:s7] =	ssyncadd.s32 $0xFFFF0000  }
0x2b1: {  	[tilespmem:s2], [sflag:$0x1] =	stream.linear.gather [hbm4b:s1+s2], $0x10000, $0x38;
	v63 =	vld [tilespmem:$0x0]  }
0x2b2: {  	_ =	swait.ge [sflag:s13], $0x10000  }
0x2b3: {  	[sflag:s13] =	ssyncset.done $0x0  }
0x2b4: {  	s1 =	rddreg [dreg:$0x17];
	[sflag:s13] =	ssyncadd.s32 $0xFFFF0000  }
0x2b5: {  	[hbm4b:s1+s2] =	stream.linear.scatter [tilespmem:s2], [sflag:$0x3], $0x10000, $0x38;
	v63 =	vld [tilespmem:$0x0]  }
0x2b6: {  	_ =	swait.ge [sflag:s5], $0x10000  }
0x2b7: {  	[sflag:s5] =	ssyncset.done $0x0  }
0x2b8: {  	s1 =	rddreg [dreg:$0x18];
	[sflag:s5] =	ssyncadd.s32 $0xFFFF0000  }
0x2b9: {  	[tilespmem:s8], [sflag:$0x2] =	stream.linear.gather [hbm4b:s1+s2], $0x10000, $0x38;
	v63 =	vld [tilespmem:$0x0]  }
0x2ba: {  	_ =	swait.ge [sflag:s10], $0x10000  }
0x2bb: {  	[sflag:s10] =	ssyncset.done $0x0  }
0x2bc: {  	s1 =	rddreg [dreg:$0x19];
	[sflag:s10] =	ssyncadd.s32 $0xFFFF0000  }
0x2bd: {  	[hbm4b:s1+s2] =	stream.linear.scatter [tilespmem:s8], [sflag:$0x4], $0x10000, $0x38;
	v63 =	vld [tilespmem:$0x0]  }
0x2be: {  	_ =	swait.ge [sflag:s7], $0x10000  }
0x2bf: {  	[sflag:s7] =	ssyncset.done $0x0  }
0x2c0: {  	s1 =	rddreg [dreg:$0x1a];
	[sflag:s7] =	ssyncadd.s32 $0xFFFF0000  }
0x2c1: {  	[tilespmem:s2], [sflag:$0x1] =	stream.linear.gather [hbm4b:s1+s2], $0x10000, $0x38;
	v63 =	vld [tilespmem:$0x0]  }
0x2c2: {  	_ =	swait.ge [sflag:s13], $0x10000  }
0x2c3: {  	[sflag:s13] =	ssyncset.done $0x0  }
0x2c4: {  	s1 =	rddreg [dreg:$0x1b];
	[sflag:s13] =	ssyncadd.s32 $0xFFFF0000  }
0x2c5: {  	[hbm4b:s1+s2] =	stream.linear.scatter [tilespmem:s2], [sflag:$0x3], $0x10000, $0x38;
	v63 =	vld [tilespmem:$0x0]  }
0x2c6: {  	_ =	swait.ge [sflag:s5], $0x10000  }
0x2c7: {  	[sflag:s5] =	ssyncset.done $0x0  }
0x2c8: {  	s1 =	rddreg [dreg:$0x1c];
	[sflag:s5] =	ssyncadd.s32 $0xFFFF0000  }
0x2c9: {  	[tilespmem:s8], [sflag:$0x2] =	stream.linear.gather [hbm4b:s1+s2], $0x10000, $0x38;
	v63 =	vld [tilespmem:$0x0]  }
0x2ca: {  	_ =	swait.ge [sflag:s10], $0x10000  }
0x2cb: {  	[sflag:s10] =	ssyncset.done $0x0  }
0x2cc: {  	s1 =	rddreg [dreg:$0x1d];
	[sflag:s10] =	ssyncadd.s32 $0xFFFF0000  }
0x2cd: {  	[hbm4b:s1+s2] =	stream.linear.scatter [tilespmem:s8], [sflag:$0x4], $0x10000, $0x38;
	v63 =	vld [tilespmem:$0x0]  }
0x2ce: {  	_ =	swait.ge [sflag:s7], $0x10000  }
0x2cf: {  	[sflag:s7] =	ssyncset.done $0x0  }
0x2d0: {  	s1 =	rddreg [dreg:$0x1e];
	[sflag:s7] =	ssyncadd.s32 $0xFFFF0000  }
0x2d1: {  	[tilespmem:s2], [sflag:$0x1] =	stream.linear.gather [hbm4b:s1+s2], $0x10000, $0x38;
	v63 =	vld [tilespmem:$0x0]  }
0x2d2: {  	_ =	swait.ge [sflag:s13], $0x10000  }
0x2d3: {  	[sflag:s13] =	ssyncset.done $0x0  }
0x2d4: {  	s1 =	rddreg [dreg:$0x1f];
	[sflag:s13] =	ssyncadd.s32 $0xFFFF0000  }
0x2d5: {  	[hbm4b:s1+s2] =	stream.linear.scatter [tilespmem:s2], [sflag:$0x3], $0x10000, $0x38;
	v63 =	vld [tilespmem:$0x0]  }
0x2d6: {  	_ =	swait.ge [sflag:s5], $0x10000  }
0x2d7: {  	s1 =	sld [smem:$0x7F3]  }
0x2d8: {  	[sflag:s5] =	ssyncset.done $0x0  }
0x2d9: {  	[sflag:s5] =	ssyncadd.s32 $0xFFFF0000  }
0x2da: {  	[tilespmem:s8], [sflag:$0x2] =	stream.linear.gather [hbm4b:s1+s2], $0x10000, $0x38;
	v63 =	vld [tilespmem:$0x0]  }
0x2db: {  	_ =	swait.ge [sflag:s10], $0x10000  }
0x2dc: {  	s1 =	sld [smem:$0x7F4]  }
0x2dd: {  	[sflag:s10] =	ssyncset.done $0x0  }
0x2de: {  	[sflag:s10] =	ssyncadd.s32 $0xFFFF0000  }
0x2df: {  	[hbm4b:s1+s2] =	stream.linear.scatter [tilespmem:s8], [sflag:$0x4], $0x10000, $0x38;
	v63 =	vld [tilespmem:$0x0]  }
0x2e0: {  	_ =	swait.ge [sflag:s7], $0x10000  }
0x2e1: {  	s1 =	sld [smem:$0x7F5]  }
0x2e2: {  	[sflag:s7] =	ssyncset.done $0x0  }
0x2e3: {  	[sflag:s7] =	ssyncadd.s32 $0xFFFF0000  }
0x2e4: {  	[tilespmem:s2], [sflag:$0x1] =	stream.linear.gather [hbm4b:s1+s2], $0x10000, $0x38;
	v63 =	vld [tilespmem:$0x0]  }
0x2e5: {  	_ =	swait.ge [sflag:s13], $0x10000  }
0x2e6: {  	s1 =	sld [smem:$0x7F6]  }
0x2e7: {  	[sflag:s13] =	ssyncset.done $0x0  }
0x2e8: {  	[sflag:s13] =	ssyncadd.s32 $0xFFFF0000  }
0x2e9: {  	[hbm4b:s1+s2] =	stream.linear.scatter [tilespmem:s2], [sflag:$0x3], $0x10000, $0x38;
	v63 =	vld [tilespmem:$0x0]  }
0x2ea: {  	_ =	swait.ge [sflag:s5], $0x10000  }
0x2eb: {  	s1 =	sld [smem:$0x7F7]  }
0x2ec: {  	[sflag:s5] =	ssyncset.done $0x0  }
0x2ed: {  	[sflag:s5] =	ssyncadd.s32 $0xFFFF0000  }
0x2ee: {  	[tilespmem:s8], [sflag:$0x2] =	stream.linear.gather [hbm4b:s1+s2], $0x10000, $0x38;
	v63 =	vld [tilespmem:$0x0]  }
0x2ef: {  	_ =	swait.ge [sflag:s10], $0x10000  }
0x2f0: {  	s1 =	sld [smem:$0x7F8]  }
0x2f1: {  	[sflag:s10] =	ssyncset.done $0x0  }
0x2f2: {  	[sflag:s10] =	ssyncadd.s32 $0xFFFF0000  }
0x2f3: {  	[hbm4b:s1+s2] =	stream.linear.scatter [tilespmem:s8], [sflag:$0x4], $0x10000, $0x38;
	v63 =	vld [tilespmem:$0x0]  }
0x2f4: {  	_ =	swait.ge [sflag:s7], $0x10000  }
0x2f5: {  	s1 =	sld [smem:$0x7F9]  }
0x2f6: {  	[sflag:s7] =	ssyncset.done $0x0  }
0x2f7: {  	[sflag:s7] =	ssyncadd.s32 $0xFFFF0000  }
0x2f8: {  	[tilespmem:s2], [sflag:$0x1] =	stream.linear.gather [hbm4b:s1+s2], $0x10000, $0x38;
	v63 =	vld [tilespmem:$0x0]  }
0x2f9: {  	_ =	swait.ge [sflag:s13], $0x10000  }
0x2fa: {  	s1 =	sld [smem:$0x7FA]  }
0x2fb: {  	[sflag:s13] =	ssyncset.done $0x0  }
0x2fc: {  	[sflag:s13] =	ssyncadd.s32 $0xFFFF0000  }
0x2fd: {  	[hbm4b:s1+s2] =	stream.linear.scatter [tilespmem:s2], [sflag:$0x3], $0x10000, $0x38;
	v63 =	vld [tilespmem:$0x0]  }
0x2fe: {  	_ =	swait.ge [sflag:s5], $0x10000  }
0x2ff: {  	s1 =	sld [smem:$0x7FB]  }
0x300: {  	[sflag:s5] =	ssyncset.done $0x0  }
0x301: {  	[sflag:s5] =	ssyncadd.s32 $0xFFFF0000  }
0x302: {  	[tilespmem:s8], [sflag:$0x2] =	stream.linear.gather [hbm4b:s1+s2], $0x10000, $0x38;
	v63 =	vld [tilespmem:$0x0]  }
0x303: {  	_ =	swait.ge [sflag:s10], $0x10000  }
0x304: {  	s1 =	sld [smem:$0x7FC]  }
0x305: {  	[sflag:s10] =	ssyncset.done $0x0  }
0x306: {  	[sflag:s10] =	ssyncadd.s32 $0xFFFF0000  }
0x307: {  	[hbm4b:s1+s2] =	stream.linear.scatter [tilespmem:s8], [sflag:$0x4], $0x10000, $0x38;
	v63 =	vld [tilespmem:$0x0]  }
0x308: {  	_ =	swait.ge [sflag:s7], $0x10000  }
0x309: {  	s1 =	sld [smem:$0x7FD]  }
0x30a: {  	[sflag:s7] =	ssyncset.done $0x0  }
0x30b: {  	[sflag:s7] =	ssyncadd.s32 $0xFFFF0000  }
0x30c: {  	[tilespmem:s2], [sflag:$0x1] =	stream.linear.gather [hbm4b:s1+s2], $0x10000, $0x38;
	v63 =	vld [tilespmem:$0x0]  }
0x30d: {  	_ =	swait.ge [sflag:s13], $0x10000  }
0x30e: {  	[sflag:s13] =	ssyncset.done $0x0  }
0x30f: {  	[sflag:s13] =	ssyncadd.s32 $0xFFFF0000  }
0x310: {  	[hbm4b:s31+s2] =	stream.linear.scatter [tilespmem:s2], [sflag:$0x3], $0x10000, $0x38;
	v63 =	vld [tilespmem:$0x0]  }
0x311: {  	_ =	swait.ge [sflag:s5], $0x10000  }
0x312: {  	[sflag:s5] =	ssyncset.done $0x0  }
0x313: {  	[sflag:s5] =	ssyncadd.s32 $0xFFFF0000  }
0x314: {  	[tilespmem:s8], [sflag:$0x2] =	stream.linear.gather [hbm4b:s30+s2], $0x10000, $0x38;
	v63 =	vld [tilespmem:$0x0]  }
0x315: {  	_ =	swait.ge [sflag:s10], $0x10000  }
0x316: {  	[sflag:s10] =	ssyncset.done $0x0  }
0x317: {  	[sflag:s10] =	ssyncadd.s32 $0xFFFF0000  }
0x318: {  	[hbm4b:s29+s2] =	stream.linear.scatter [tilespmem:s8], [sflag:$0x4], $0x10000, $0x38;
	v63 =	vld [tilespmem:$0x0]  }
0x319: {  	_ =	swait.ge [sflag:s7], $0x10000  }
0x31a: {  	[sflag:s7] =	ssyncset.done $0x0  }
0x31b: {  	[sflag:s7] =	ssyncadd.s32 $0xFFFF0000  }
0x31c: {  	[tilespmem:s2], [sflag:$0x1] =	stream.linear.gather [hbm4b:s28+s2], $0x10000, $0x38;
	v63 =	vld [tilespmem:$0x0]  }
0x31d: {  	_ =	swait.ge [sflag:s13], $0x10000  }
0x31e: {  	[sflag:s13] =	ssyncset.done $0x0  }
0x31f: {  	[sflag:s13] =	ssyncadd.s32 $0xFFFF0000  }
0x320: {  	[hbm4b:s26+s2] =	stream.linear.scatter [tilespmem:s2], [sflag:$0x3], $0x10000, $0x38;
	v63 =	vld [tilespmem:$0x0]  }
0x321: {  	_ =	swait.ge [sflag:s5], $0x10000  }
0x322: {  	[sflag:s5] =	ssyncset.done $0x0  }
0x323: {  	[sflag:s5] =	ssyncadd.s32 $0xFFFF0000  }
0x324: {  	[tilespmem:s8], [sflag:$0x2] =	stream.linear.gather [hbm4b:s25+s2], $0x10000, $0x38;
	v63 =	vld [tilespmem:$0x0]  }
0x325: {  	_ =	swait.ge [sflag:s10], $0x10000  }
0x326: {  	[sflag:s10] =	ssyncset.done $0x0  }
0x327: {  	[sflag:s10] =	ssyncadd.s32 $0xFFFF0000  }
0x328: {  	[hbm4b:s24+s2] =	stream.linear.scatter [tilespmem:s8], [sflag:$0x4], $0x10000, $0x38;
	v63 =	vld [tilespmem:$0x0]  }
0x329: {  	_ =	swait.ge [sflag:s7], $0x10000  }
0x32a: {  	[sflag:s7] =	ssyncset.done $0x0  }
0x32b: {  	[sflag:s7] =	ssyncadd.s32 $0xFFFF0000  }
0x32c: {  	[tilespmem:s2], [sflag:$0x1] =	stream.linear.gather [hbm4b:s23+s2], $0x10000, $0x38;
	v63 =	vld [tilespmem:$0x0]  }
0x32d: {  	_ =	swait.ge [sflag:s13], $0x10000  }
0x32e: {  	[sflag:s13] =	ssyncset.done $0x0  }
0x32f: {  	[sflag:s13] =	ssyncadd.s32 $0xFFFF0000  }
0x330: {  	[hbm4b:s22+s2] =	stream.linear.scatter [tilespmem:s2], [sflag:$0x3], $0x10000, $0x38;
	v63 =	vld [tilespmem:$0x0]  }
0x331: {  	_ =	swait.ge [sflag:s5], $0x10000  }
0x332: {  	[sflag:s5] =	ssyncset.done $0x0  }
0x333: {  	[sflag:s5] =	ssyncadd.s32 $0xFFFF0000  }
0x334: {  	[tilespmem:s8], [sflag:$0x2] =	stream.linear.gather [hbm4b:s21+s2], $0x10000, $0x38;
	v63 =	vld [tilespmem:$0x0]  }
0x335: {  	_ =	swait.ge [sflag:s10], $0x10000  }
0x336: {  	[sflag:s10] =	ssyncset.done $0x0  }
0x337: {  	[sflag:s10] =	ssyncadd.s32 $0xFFFF0000  }
0x338: {  	[hbm4b:s20+s2] =	stream.linear.scatter [tilespmem:s8], [sflag:$0x4], $0x10000, $0x38;
	v63 =	vld [tilespmem:$0x0]  }
0x339: {  	_ =	swait.ge [sflag:s7], $0x10000  }
0x33a: {  	[sflag:s7] =	ssyncset.done $0x0  }
0x33b: {  	[sflag:s7] =	ssyncadd.s32 $0xFFFF0000  }
0x33c: {  	[tilespmem:s2], [sflag:$0x1] =	stream.linear.gather [hbm4b:s19+s2], $0x10000, $0x38;
	v63 =	vld [tilespmem:$0x0]  }
0x33d: {  	_ =	swait.ge [sflag:s13], $0x10000  }
0x33e: {  	[sflag:s13] =	ssyncset.done $0x0  }
0x33f: {  	[sflag:s13] =	ssyncadd.s32 $0xFFFF0000  }
0x340: {  	[hbm4b:s18+s2] =	stream.linear.scatter [tilespmem:s2], [sflag:$0x3], $0x10000, $0x38;
	v63 =	vld [tilespmem:$0x0]  }
0x341: {  	_ =	swait.ge [sflag:s5], $0x10000  }
0x342: {  	[sflag:s5] =	ssyncset.done $0x0  }
0x343: {  	[sflag:s5] =	ssyncadd.s32 $0xFFFF0000  }
0x344: {  	[tilespmem:s8], [sflag:$0x2] =	stream.linear.gather [hbm4b:s17+s2], $0x10000, $0x38;
	v63 =	vld [tilespmem:$0x0]  }
0x345: {  	_ =	swait.ge [sflag:s10], $0x10000  }
0x346: {  	[sflag:s10] =	ssyncset.done $0x0  }
0x347: {  	[sflag:s10] =	ssyncadd.s32 $0xFFFF0000  }
0x348: {  	[hbm4b:s16+s2] =	stream.linear.scatter [tilespmem:s8], [sflag:$0x4], $0x10000, $0x38;
	v63 =	vld [tilespmem:$0x0]  }
0x349: {  	_ =	swait.ge [sflag:s7], $0x10000  }
0x34a: {  	[sflag:s7] =	ssyncset.done $0x0  }
0x34b: {  	[sflag:s7] =	ssyncadd.s32 $0xFFFF0000  }
0x34c: {  	[tilespmem:s2], [sflag:$0x1] =	stream.linear.gather [hbm4b:s15+s2], $0x10000, $0x38;
	v63 =	vld [tilespmem:$0x0]  }
0x34d: {  	_ =	swait.ge [sflag:s13], $0x10000  }
0x34e: {  	[sflag:s13] =	ssyncset.done $0x0  }
0x34f: {  	[sflag:s13] =	ssyncadd.s32 $0xFFFF0000  }
0x350: {  	[hbm4b:s14+s2] =	stream.linear.scatter [tilespmem:s2], [sflag:$0x3], $0x10000, $0x38;
	v63 =	vld [tilespmem:$0x0]  }
0x351: {  	_ =	swait.ge [sflag:s5], $0x10000  }
0x352: {  	[sflag:s5] =	ssyncset.done $0x0  }
0x353: {  	[sflag:s5] =	ssyncadd.s32 $0xFFFF0000  }
0x354: {  	[tilespmem:s8], [sflag:$0x2] =	stream.linear.gather [hbm4b:s12+s2], $0x10000, $0x38;
	v63 =	vld [tilespmem:$0x0]  }
0x355: {  	_ =	swait.ge [sflag:s10], $0x10000  }
0x356: {  	[sflag:s10] =	ssyncset.done $0x0  }
0x357: {  	[sflag:s10] =	ssyncadd.s32 $0xFFFF0000  }
0x358: {  	[hbm4b:s11+s2] =	stream.linear.scatter [tilespmem:s8], [sflag:$0x4], $0x10000, $0x38;
	v63 =	vld [tilespmem:$0x0]  }
0x359: {  	_ =	swait.ge [sflag:s7], $0x10000  }
0x35a: {  	[sflag:s7] =	ssyncset.done $0x0  }
0x35b: {  	[sflag:s7] =	ssyncadd.s32 $0xFFFF0000  }
0x35c: {  	[tilespmem:s2], [sflag:$0x1] =	stream.linear.gather [hbm4b:s9+s2], $0x10000, $0x38;
	v63 =	vld [tilespmem:$0x0]  }
0x35d: {  	_ =	swait.ge [sflag:s13], $0x10000  }
0x35e: {  	[sflag:s13] =	ssyncset.done $0x0  }
0x35f: {  	[sflag:s13] =	ssyncadd.s32 $0xFFFF0000  }
0x360: {  	[hbm4b:s6+s2] =	stream.linear.scatter [tilespmem:s2], [sflag:$0x3], $0x10000, $0x38;
	v63 =	vld [tilespmem:$0x0]  }
0x361: {  	_ =	swait.ge [sflag:s5], $0x10000  }
0x362: {  	[sflag:s5] =	ssyncset.done $0x0  }
0x363: {  	[sflag:s5] =	ssyncadd.s32 $0xFFFF0000  }
0x364: {  	[tilespmem:s8], [sflag:$0x2] =	stream.linear.gather [hbm4b:s4+s2], $0x10000, $0x38;
	v63 =	vld [tilespmem:$0x0]  }
0x365: {  	_ =	swait.ge [sflag:s10], $0x10000  }
0x366: {  	[sflag:s10] =	ssyncset.done $0x0  }
0x367: {  	[sflag:s10] =	ssyncadd.s32 $0xFFFF0000  }
0x368: {  	[hbm4b:s3+s2] =	stream.linear.scatter [tilespmem:s8], [sflag:$0x4], $0x10000, $0x38;
	v63 =	vld [tilespmem:$0x0]  }
0x369: {  	_ =	swait.ge [sflag:s7], $0x10000  }
0x36a: {  	[sflag:s7] =	ssyncset.done $0x0  }
0x36b: {  	[sflag:s7] =	ssyncadd.s32 $0xFFFF0000  }
0x36c: {  	_ =	swait.ge [sflag:s5], $0x10000  }
0x36d: {  	[sflag:s5] =	ssyncset.done $0x0  }
0x36e: {  	[sflag:s5] =	ssyncadd.s32 $0xFFFF0000  }
0x36f: {  	_ =	sfence.sel $0x180000  }
0x370: {  	[bflag:$0x0] =	sbarrier.arrive $0xFFFF  }
0x371: {  	_ =	strace $0x90000047  }
0x372: {  	s31 =	stileid.u32;
	[bflag:$0x2] =	sbarrier.arrive $0xFFFF  }
0x373: {  	p0 =	sne.s32 s31, $0x0;
	s0 =	rddreg [dreg:$0x1]  }
0x374: {  	s0 =	sadd.s32 @!p0 $0x100000, s0  }
0x375: {  	[sflag:s0] =	ssyncadd.tile.s32 @!p0 $0x1;
	_ =	shalt  }
.Lfunc_end2:
_tile_overlayer_lowered:
.L_overlay_start_2:
0x376: {  	(tag) =	ssettag $0x2  }
0x377: {  	s0 =	rddreg [dreg:$0x0];
	s2 =	stileid.u32  }
0x378: {  	s1 =	rddreg [dreg:$0x1];
	p0 =	sne.s32 s2, $0x0  }
0x379: {  	s3 =	rddreg [dreg:$0x2];
	[bflag:$0x3] =	sbarrier.arrive $0xFFFF;
	s2 =	simm.s32 @!p0 $0x1C05  }
0x37a: {  	[timem:s3], [sflag:s2] =	dma.local @!p0 [hbm:s0], s1  }
0x37b: {  	s0 =	simm.s32 @!p0 $0x5  }
0x37c: {  	_ =	swait.ge @!p0 [sflag:s0], s1  }
0x37d: {  	s1 =	ssub.s32 @!p0 $0x0, s1;
	[sflag:s0] =	ssyncset.done @!p0 $0x0  }
0x37e: {  	[sflag:s0] =	ssyncadd.s32 @!p0 s1  }
0x37f: {  	[bflag:$0x3] =	sbarrier.arrive $0xFFFF  }
0x380: {  	_ =	shalt  }

</sc_bundles>
